<compile_context>
chip_gen: v7x
topology: tpu7x:2x2x1
jax: 0.10.2.dev20260603
libtpu: 0.0.44.dev20260713+nightly
codegen_flags: <defaults>
</compile_context>

<pallas_src>
import functools

import jax
import jax.numpy as jnp
from jax import lax
from jax.experimental import pallas as pl
from jax.experimental.pallas import tpu as pltpu
from jax.experimental.pallas import tpu_sc as plsc

NC = 2
NS = 16
NW = NC * NS
L = 16


_SC_PARAMS = pltpu.CompilerParams(needs_layout_passes=False)


def _wid():
    return lax.axis_index("s") * NC + lax.axis_index("c")


def _make_deg_kernel(E, Np):
    ept = E // NW
    nv = ept // L
    mesh = plsc.VectorSubcoreMesh(core_axis_name="c", subcore_axis_name="s")

    @functools.partial(
        pl.kernel,
        out_type=jax.ShapeDtypeStruct((NW, Np), jnp.float32),
        mesh=mesh,
        scratch_types=[
            pltpu.VMEM((ept,), jnp.int32),
            pltpu.VMEM((Np,), jnp.float32),
        ],
        compiler_params=_SC_PARAMS,
    )
    def deg_k(dst_hbm, zeros_hbm, out_hbm, dst_v, acc_v):
        wid = _wid()
        pltpu.sync_copy(dst_hbm.at[pl.ds(wid * ept, ept)], dst_v)
        pltpu.sync_copy(zeros_hbm, acc_v)
        ones = jnp.ones((L,), jnp.float32)

        @plsc.parallel_loop(0, ept, L, unroll=8)
        def _(off):
            d = dst_v[pl.ds(off, L)]
            plsc.addupdate_scatter(acc_v, [d], ones)

        pltpu.sync_copy(acc_v, out_hbm.at[wid])

    return deg_k


def _make_gs1_kernel(E, Np):
    ept = E // NW
    nv = ept // L
    mesh = plsc.VectorSubcoreMesh(core_axis_name="c", subcore_axis_name="s")

    @functools.partial(
        pl.kernel,
        out_type=jax.ShapeDtypeStruct((NW, Np), jnp.float32),
        mesh=mesh,
        scratch_types=[
            pltpu.VMEM((ept,), jnp.int32),
            pltpu.VMEM((ept,), jnp.int32),
            pltpu.VMEM((Np,), jnp.float32),
            pltpu.VMEM((Np,), jnp.float32),
        ],
        compiler_params=_SC_PARAMS,
    )
    def gs1_k(src_hbm, dst_hbm, val_hbm, zeros_hbm, out_hbm,
              src_v, dst_v, val_v, acc_v):
        wid = _wid()
        pltpu.sync_copy(val_hbm, val_v)
        pltpu.sync_copy(src_hbm.at[pl.ds(wid * ept, ept)], src_v)
        pltpu.sync_copy(dst_hbm.at[pl.ds(wid * ept, ept)], dst_v)
        pltpu.sync_copy(zeros_hbm, acc_v)

        @plsc.parallel_loop(0, ept, L, unroll=8)
        def _(off):
            s = src_v[pl.ds(off, L)]
            d = dst_v[pl.ds(off, L)]
            vals = plsc.load_gather(val_v, [s])
            plsc.addupdate_scatter(acc_v, [d], vals)

        pltpu.sync_copy(acc_v, out_hbm.at[wid])

    return gs1_k


def _make_gs2_kernel(E, Np):
    ept = E // NW
    nv = ept // L
    mesh = plsc.VectorSubcoreMesh(core_axis_name="c", subcore_axis_name="s")

    @functools.partial(
        pl.kernel,
        out_type=(
            jax.ShapeDtypeStruct((NW, Np), jnp.float32),
            jax.ShapeDtypeStruct((NW, Np), jnp.float32),
        ),
        mesh=mesh,
        scratch_types=[
            pltpu.VMEM((ept,), jnp.int32),
            pltpu.VMEM((ept,), jnp.int32),
            pltpu.VMEM((Np,), jnp.float32),
            pltpu.VMEM((Np,), jnp.float32),
            pltpu.VMEM((Np,), jnp.float32),
            pltpu.VMEM((Np,), jnp.float32),
        ],
        compiler_params=_SC_PARAMS,
    )
    def gs2_k(src_hbm, dst_hbm, va_hbm, vb_hbm, zeros_hbm, outa_hbm, outb_hbm,
              src_v, dst_v, va_v, vb_v, acca_v, accb_v):
        wid = _wid()
        pltpu.sync_copy(va_hbm, va_v)
        pltpu.sync_copy(vb_hbm, vb_v)
        pltpu.sync_copy(src_hbm.at[pl.ds(wid * ept, ept)], src_v)
        pltpu.sync_copy(dst_hbm.at[pl.ds(wid * ept, ept)], dst_v)
        pltpu.sync_copy(zeros_hbm, acca_v)
        pltpu.sync_copy(zeros_hbm, accb_v)

        @plsc.parallel_loop(0, ept, L, unroll=8)
        def _(off):
            s = src_v[pl.ds(off, L)]
            d = dst_v[pl.ds(off, L)]
            a = plsc.load_gather(va_v, [s])
            plsc.addupdate_scatter(acca_v, [d], a)
            b = plsc.load_gather(vb_v, [s])
            plsc.addupdate_scatter(accb_v, [d], b)
        pltpu.sync_copy(acca_v, outa_hbm.at[wid])
        pltpu.sync_copy(accb_v, outb_hbm.at[wid])

    return gs2_k




def _tc_prep(pd_ref, x_ref, dinv_ref, v1_ref):
    deg = jnp.sum(pd_ref[...], axis=0) + 1.0
    dinv = lax.rsqrt(deg)
    dinv_ref[...] = dinv
    v1_ref[...] = dinv * x_ref[...]


def _tc_mid(ps_ref, dinv_ref, v1_ref, w_ref, v2a_ref, v2b_ref):
    s1 = jnp.sum(ps_ref[...], axis=0)
    dinv = dinv_ref[...]
    t1 = dinv * (s1 + v1_ref[...])
    h0 = jnp.zeros_like(t1)
    h1 = jnp.zeros_like(t1)
    for k in range(16):
        z = jnp.maximum(t1 * w_ref[0, k] + w_ref[1, k], 0.0)
        h0 = h0 + z * w_ref[2, k]
        h1 = h1 + z * w_ref[3, k]
    v2a_ref[...] = dinv * h0
    v2b_ref[...] = dinv * h1


def _tc_out(psa_ref, psb_ref, dinv_ref, v2a_ref, v2b_ref, b2_ref, outa_ref, outb_ref):
    dinv = dinv_ref[...]
    o0 = dinv * (jnp.sum(psa_ref[...], axis=0) + v2a_ref[...]) + b2_ref[0]
    o1 = dinv * (jnp.sum(psb_ref[...], axis=0) + v2b_ref[...]) + b2_ref[1]
    m = jnp.maximum(o0, o1)
    lse = m + jnp.log(jnp.exp(o0 - m) + jnp.exp(o1 - m))
    outa_ref[...] = o0 - lse
    outb_ref[...] = o1 - lse


def _vspec():
    return pl.BlockSpec(memory_space=pltpu.VMEM)


def _sspec():
    return pl.BlockSpec(memory_space=pltpu.SMEM)


def kernel(x, edge_index, W1, b1, W2, b2):
    N = x.shape[0]
    E = edge_index.shape[1]
    Np = ((N + 1023) // 1024) * 1024
    R = Np // 128

    src = edge_index[0]
    dst = edge_index[1]
    xp = jnp.pad(x[:, 0], (0, Np - N)).reshape(R, 128)

    deg_k = _make_deg_kernel(E, Np)
    gs1_k = _make_gs1_kernel(E, Np)
    gs2_k = _make_gs2_kernel(E, Np)

    zeros_np = jnp.zeros((Np,), jnp.float32)
    deg_parts = deg_k(dst, zeros_np)

    dinv, v1 = pl.pallas_call(
        _tc_prep,
        out_shape=(
            jax.ShapeDtypeStruct((R, 128), jnp.float32),
            jax.ShapeDtypeStruct((R, 128), jnp.float32),
        ),
        in_specs=[_vspec(), _vspec()],
        out_specs=(_vspec(), _vspec()),
    )(deg_parts.reshape(NW, R, 128), xp)

    s1_parts = gs1_k(src, dst, v1.reshape(Np), zeros_np)

    wpack = jnp.stack([W1[0], b1, W2[:, 0], W2[:, 1]])
    v2a, v2b = pl.pallas_call(
        _tc_mid,
        out_shape=(
            jax.ShapeDtypeStruct((R, 128), jnp.float32),
            jax.ShapeDtypeStruct((R, 128), jnp.float32),
        ),
        in_specs=[_vspec(), _vspec(), _vspec(), _sspec()],
        out_specs=(_vspec(), _vspec()),
    )(s1_parts.reshape(NW, R, 128), dinv, v1, wpack)

    s2a_parts, s2b_parts = gs2_k(src, dst, v2a.reshape(Np), v2b.reshape(Np), zeros_np)

    outa, outb = pl.pallas_call(
        _tc_out,
        out_shape=(
            jax.ShapeDtypeStruct((R, 128), jnp.float32),
            jax.ShapeDtypeStruct((R, 128), jnp.float32),
        ),
        in_specs=[_vspec(), _vspec(), _vspec(), _vspec(), _vspec(), _sspec()],
        out_specs=(_vspec(), _vspec()),
    )(s2a_parts.reshape(NW, R, 128), s2b_parts.reshape(NW, R, 128),
      dinv, v2a, v2b, b2)

    out = jnp.stack([outa.reshape(Np), outb.reshape(Np)], axis=1)
    return out[:N]

# --- scband reference (transcript-rebuilt; emitter-appended) ---
"""Pipeline reference for scband-advanced-fraud-gcn-51384988729570 (READ-ONLY COPY).

The authoritative reference and input builder live on the scoring server;
editing this copy changes nothing except your own understanding.
"""

import jax, jax.numpy as jnp
import numpy as np

N = 10000
E = 640000


def gcn_conv(x, edge_index, W, b):
    # GCNConv with symmetric normalization and self-loops: D^{-1/2}(A+I)D^{-1/2} X W + b
    src = edge_index[0]
    dst = edge_index[1]
    loop = jnp.arange(N, dtype=src.dtype)
    src = jnp.concatenate([src, loop])
    dst = jnp.concatenate([dst, loop])
    h = x @ W
    ones = jnp.ones(src.shape[0], dtype=h.dtype)
    deg = jax.ops.segment_sum(ones, dst, num_segments=N)
    dinv = jnp.where(deg > 0, 1.0 / jnp.sqrt(deg), 0.0)
    norm = dinv[src] * dinv[dst]
    msg = h[src] * norm[:, None]
    out = jax.ops.segment_sum(msg, dst, num_segments=N)
    return out + b


def setup_inputs(seed: int = 0):
    key = jax.random.key(seed)
    k1, k2, k3, k4 = jax.random.split(key, 4)
    x = jax.random.normal(k1, (N, 1), dtype=jnp.float32)
    edge_index = jax.random.randint(k2, (2, E), 0, N, dtype=jnp.int32)
    # Glorot-style init for GCN weights
    W1 = jax.random.normal(k3, (1, 16), dtype=jnp.float32) * (1.0 / np.sqrt(1.0))
    b1 = jnp.zeros((16,), dtype=jnp.float32)
    W2 = jax.random.normal(k4, (16, 2), dtype=jnp.float32) * (1.0 / np.sqrt(16.0))
    b2 = jnp.zeros((2,), dtype=jnp.float32)
    return {"x": x, "edge_index": edge_index, "W1": W1, "b1": b1, "W2": W2, "b2": b2}


def reference(x, edge_index, W1, b1, W2, b2):
    h = gcn_conv(x, edge_index, W1, b1)
    h = jax.nn.relu(h)
    h = gcn_conv(h, edge_index, W2, b2)
    return jax.nn.log_softmax(h, axis=1)

if __name__ == "__main__":
    import jax
    _d = setup_inputs()
    print(jax.jit(kernel)(*tuple(_d.values())))

</pallas_src>

<mosaic_0001>
#map = affine_map<(d0, d1) -> (0)>
#map1 = affine_map<(d0, d1) -> (0, 0)>
module attributes {stable_mosaic.version = 14 : i64} {
  func.func @gs2_k(%arg0: i32, %arg1: i32, %arg2: memref<640000xi32, #tpu.memory_space<hbm>>, %arg3: memref<640000xi32, #tpu.memory_space<hbm>>, %arg4: memref<10240xf32, #tpu.memory_space<hbm>>, %arg5: memref<10240xf32, #tpu.memory_space<hbm>>, %arg6: memref<10240xf32, #tpu.memory_space<hbm>>, %arg7: memref<32x10240xf32, #tpu.memory_space<hbm>>, %arg8: memref<32x10240xf32, #tpu.memory_space<hbm>>, %arg9: memref<20000xi32, #tpu.memory_space<vmem>>, %arg10: memref<20000xi32, #tpu.memory_space<vmem>>, %arg11: memref<10240xf32, #tpu.memory_space<vmem>>, %arg12: memref<10240xf32, #tpu.memory_space<vmem>>, %arg13: memref<10240xf32, #tpu.memory_space<vmem>>, %arg14: memref<10240xf32, #tpu.memory_space<vmem>>) attributes {dimension_semantics = [#tpu.dimension_semantics<core_parallel>, #tpu.dimension_semantics<subcore_parallel>], iteration_bounds = array<i64: 2, 16>, scalar_prefetch = 0 : i64, scratch_operands = 6 : i64, tpu.core_type = #tpu.core_type<sc_vector_subcore>, window_params = [{transform_indices = #map}, {transform_indices = #map}, {transform_indices = #map}, {transform_indices = #map}, {transform_indices = #map}, {transform_indices = #map1}, {transform_indices = #map1}]} {
    %mul3A = arith.constant 2 : i32
    %mul3A_0 = arith.muli %arg1, %mul3A : i32
    %add3A = arith.addi %mul3A_0, %arg0 : i32
    "tpu.region"() ({
      %run_scoped3A = tpu.sem_alloc : memref<!tpu.dma_semaphore, #tpu.memory_space<semaphore_mem>>
      tpu.enqueue_dma source(%arg4 : memref<10240xf32, #tpu.memory_space<hbm>>) target(%arg11 : memref<10240xf32, #tpu.memory_space<vmem>>) target_semaphore(%run_scoped3A : memref<!tpu.dma_semaphore, #tpu.memory_space<semaphore_mem>>)
      tpu.wait_dma2 semaphore(%run_scoped3A : memref<!tpu.dma_semaphore, #tpu.memory_space<semaphore_mem>>) src(%arg4 : memref<10240xf32, #tpu.memory_space<hbm>>) dst(%arg11 : memref<10240xf32, #tpu.memory_space<vmem>>)
      tpu.yield
    }) : () -> ()
    "tpu.region"() ({
      %run_scoped3A = tpu.sem_alloc : memref<!tpu.dma_semaphore, #tpu.memory_space<semaphore_mem>>
      tpu.enqueue_dma source(%arg5 : memref<10240xf32, #tpu.memory_space<hbm>>) target(%arg12 : memref<10240xf32, #tpu.memory_space<vmem>>) target_semaphore(%run_scoped3A : memref<!tpu.dma_semaphore, #tpu.memory_space<semaphore_mem>>)
      tpu.wait_dma2 semaphore(%run_scoped3A : memref<!tpu.dma_semaphore, #tpu.memory_space<semaphore_mem>>) src(%arg5 : memref<10240xf32, #tpu.memory_space<hbm>>) dst(%arg12 : memref<10240xf32, #tpu.memory_space<vmem>>)
      tpu.yield
    }) : () -> ()
    %mul3A_1 = arith.constant 20000 : i32
    %mul3A_2 = arith.muli %add3A, %mul3A_1 : i32
    "tpu.region"() ({
      %run_scoped3A = tpu.sem_alloc : memref<!tpu.dma_semaphore, #tpu.memory_space<semaphore_mem>>
      %dma_start3A = tpu.memref_slice %arg2[%mul3A_2] : memref<640000xi32, #tpu.memory_space<hbm>> -> memref<20000xi32, #tpu.memory_space<hbm>>
      %dma_start3A_7 = tpu.memref_slice %arg2[%mul3A_2] : memref<640000xi32, #tpu.memory_space<hbm>> -> memref<20000xi32, #tpu.memory_space<hbm>>
      tpu.enqueue_dma source(%dma_start3A_7 : memref<20000xi32, #tpu.memory_space<hbm>>) target(%arg9 : memref<20000xi32, #tpu.memory_space<vmem>>) target_semaphore(%run_scoped3A : memref<!tpu.dma_semaphore, #tpu.memory_space<semaphore_mem>>)
      %dma_wait3A = tpu.memref_slice %arg2[%mul3A_2] : memref<640000xi32, #tpu.memory_space<hbm>> -> memref<20000xi32, #tpu.memory_space<hbm>>
      %dma_wait3A_8 = tpu.memref_slice %arg2[%mul3A_2] : memref<640000xi32, #tpu.memory_space<hbm>> -> memref<20000xi32, #tpu.memory_space<hbm>>
      tpu.wait_dma2 semaphore(%run_scoped3A : memref<!tpu.dma_semaphore, #tpu.memory_space<semaphore_mem>>) src(%dma_wait3A_8 : memref<20000xi32, #tpu.memory_space<hbm>>) dst(%arg9 : memref<20000xi32, #tpu.memory_space<vmem>>)
      tpu.yield
    }) : () -> ()
    %mul3A_3 = arith.constant 20000 : i32
    %mul3A_4 = arith.muli %add3A, %mul3A_3 : i32
    "tpu.region"() ({
      %run_scoped3A = tpu.sem_alloc : memref<!tpu.dma_semaphore, #tpu.memory_space<semaphore_mem>>
      %dma_start3A = tpu.memref_slice %arg3[%mul3A_4] : memref<640000xi32, #tpu.memory_space<hbm>> -> memref<20000xi32, #tpu.memory_space<hbm>>
      %dma_start3A_7 = tpu.memref_slice %arg3[%mul3A_4] : memref<640000xi32, #tpu.memory_space<hbm>> -> memref<20000xi32, #tpu.memory_space<hbm>>
      tpu.enqueue_dma source(%dma_start3A_7 : memref<20000xi32, #tpu.memory_space<hbm>>) target(%arg10 : memref<20000xi32, #tpu.memory_space<vmem>>) target_semaphore(%run_scoped3A : memref<!tpu.dma_semaphore, #tpu.memory_space<semaphore_mem>>)
      %dma_wait3A = tpu.memref_slice %arg3[%mul3A_4] : memref<640000xi32, #tpu.memory_space<hbm>> -> memref<20000xi32, #tpu.memory_space<hbm>>
      %dma_wait3A_8 = tpu.memref_slice %arg3[%mul3A_4] : memref<640000xi32, #tpu.memory_space<hbm>> -> memref<20000xi32, #tpu.memory_space<hbm>>
      tpu.wait_dma2 semaphore(%run_scoped3A : memref<!tpu.dma_semaphore, #tpu.memory_space<semaphore_mem>>) src(%dma_wait3A_8 : memref<20000xi32, #tpu.memory_space<hbm>>) dst(%arg10 : memref<20000xi32, #tpu.memory_space<vmem>>)
      tpu.yield
    }) : () -> ()
    "tpu.region"() ({
      %run_scoped3A = tpu.sem_alloc : memref<!tpu.dma_semaphore, #tpu.memory_space<semaphore_mem>>
      tpu.enqueue_dma source(%arg6 : memref<10240xf32, #tpu.memory_space<hbm>>) target(%arg13 : memref<10240xf32, #tpu.memory_space<vmem>>) target_semaphore(%run_scoped3A : memref<!tpu.dma_semaphore, #tpu.memory_space<semaphore_mem>>)
      tpu.wait_dma2 semaphore(%run_scoped3A : memref<!tpu.dma_semaphore, #tpu.memory_space<semaphore_mem>>) src(%arg6 : memref<10240xf32, #tpu.memory_space<hbm>>) dst(%arg13 : memref<10240xf32, #tpu.memory_space<vmem>>)
      tpu.yield
    }) : () -> ()
    "tpu.region"() ({
      %run_scoped3A = tpu.sem_alloc : memref<!tpu.dma_semaphore, #tpu.memory_space<semaphore_mem>>
      tpu.enqueue_dma source(%arg6 : memref<10240xf32, #tpu.memory_space<hbm>>) target(%arg14 : memref<10240xf32, #tpu.memory_space<vmem>>) target_semaphore(%run_scoped3A : memref<!tpu.dma_semaphore, #tpu.memory_space<semaphore_mem>>)
      tpu.wait_dma2 semaphore(%run_scoped3A : memref<!tpu.dma_semaphore, #tpu.memory_space<semaphore_mem>>) src(%arg6 : memref<10240xf32, #tpu.memory_space<hbm>>) dst(%arg14 : memref<10240xf32, #tpu.memory_space<vmem>>)
      tpu.yield
    }) : () -> ()
    %parallel_loop3A = arith.constant 0 : i32
    %parallel_loop3A_5 = arith.constant 20000 : i32
    %parallel_loop3A_6 = arith.constant 16 : i32
    scf.for %parallel_loop3A_7 = %parallel_loop3A to %parallel_loop3A_5 step %parallel_loop3A_6  : i32 {
      %parallel_loop3A_8 = arith.index_cast %parallel_loop3A_7 : i32 to index
      %parallel_loop3A_9 = tpu.vector_load %arg9[%parallel_loop3A_8] {strides = array<i32>} : memref<20000xi32, #tpu.memory_space<vmem>>, vector<16xi32>,
      %parallel_loop3A_10 = arith.index_cast %parallel_loop3A_7 : i32 to index
      %parallel_loop3A_11 = tpu.vector_load %arg10[%parallel_loop3A_10] {strides = array<i32>} : memref<20000xi32, #tpu.memory_space<vmem>>, vector<16xi32>,
      %parallel_loop3A_12 = tpu.vector_load_idx %arg11[%parallel_loop3A_9] : memref<10240xf32, #tpu.memory_space<vmem>>[vector<16xi32>], vector<16xf32>,
      tpu.vector_store_idx %arg13[%parallel_loop3A_11], %parallel_loop3A_12 {add = true} : memref<10240xf32, #tpu.memory_space<vmem>>[vector<16xi32>], vector<16xf32>,
      %parallel_loop3A_13 = tpu.vector_load_idx %arg12[%parallel_loop3A_9] : memref<10240xf32, #tpu.memory_space<vmem>>[vector<16xi32>], vector<16xf32>,
      tpu.vector_store_idx %arg14[%parallel_loop3A_11], %parallel_loop3A_13 {add = true} : memref<10240xf32, #tpu.memory_space<vmem>>[vector<16xi32>], vector<16xf32>,
    } {sc.loop_unroll_factor = 8 : i64, sc.parallel_access}
    "tpu.region"() ({
      %run_scoped3A = tpu.sem_alloc : memref<!tpu.dma_semaphore, #tpu.memory_space<semaphore_mem>>
      %dma_start3A = arith.constant 0 : i32
      %dma_start3A_7 = tpu.memref_slice %arg7[%add3A, %dma_start3A] : memref<32x10240xf32, #tpu.memory_space<hbm>> -> memref<1x10240xf32, #tpu.memory_space<hbm>>
      %dma_start3A_8 = tpu.memref_squeeze %dma_start3A_7 : memref<1x10240xf32, #tpu.memory_space<hbm>> -> memref<10240xf32, #tpu.memory_space<hbm>>
      %dma_start3A_9 = arith.constant 0 : i32
      %dma_start3A_10 = tpu.memref_slice %arg7[%add3A, %dma_start3A_9] : memref<32x10240xf32, #tpu.memory_space<hbm>> -> memref<1x10240xf32, #tpu.memory_space<hbm>>
      %dma_start3A_11 = tpu.memref_squeeze %dma_start3A_10 : memref<1x10240xf32, #tpu.memory_space<hbm>> -> memref<10240xf32, #tpu.memory_space<hbm>>
      tpu.enqueue_dma source(%arg13 : memref<10240xf32, #tpu.memory_space<vmem>>) target(%dma_start3A_11 : memref<10240xf32, #tpu.memory_space<hbm>>) target_semaphore(%run_scoped3A : memref<!tpu.dma_semaphore, #tpu.memory_space<semaphore_mem>>)
      %dma_wait3A = arith.constant 0 : i32
      %dma_wait3A_12 = tpu.memref_slice %arg7[%add3A, %dma_wait3A] : memref<32x10240xf32, #tpu.memory_space<hbm>> -> memref<1x10240xf32, #tpu.memory_space<hbm>>
      %dma_wait3A_13 = tpu.memref_squeeze %dma_wait3A_12 : memref<1x10240xf32, #tpu.memory_space<hbm>> -> memref<10240xf32, #tpu.memory_space<hbm>>
      %dma_wait3A_14 = arith.constant 0 : i32
      %dma_wait3A_15 = tpu.memref_slice %arg7[%add3A, %dma_wait3A_14] : memref<32x10240xf32, #tpu.memory_space<hbm>> -> memref<1x10240xf32, #tpu.memory_space<hbm>>
      %dma_wait3A_16 = tpu.memref_squeeze %dma_wait3A_15 : memref<1x10240xf32, #tpu.memory_space<hbm>> -> memref<10240xf32, #tpu.memory_space<hbm>>
      tpu.wait_dma2 semaphore(%run_scoped3A : memref<!tpu.dma_semaphore, #tpu.memory_space<semaphore_mem>>) src(%arg13 : memref<10240xf32, #tpu.memory_space<vmem>>) dst(%dma_wait3A_16 : memref<10240xf32, #tpu.memory_space<hbm>>)
      tpu.yield
    }) : () -> ()
    "tpu.region"() ({
      %run_scoped3A = tpu.sem_alloc : memref<!tpu.dma_semaphore, #tpu.memory_space<semaphore_mem>>
      %dma_start3A = arith.constant 0 : i32
      %dma_start3A_7 = tpu.memref_slice %arg8[%add3A, %dma_start3A] : memref<32x10240xf32, #tpu.memory_space<hbm>> -> memref<1x10240xf32, #tpu.memory_space<hbm>>
      %dma_start3A_8 = tpu.memref_squeeze %dma_start3A_7 : memref<1x10240xf32, #tpu.memory_space<hbm>> -> memref<10240xf32, #tpu.memory_space<hbm>>
      %dma_start3A_9 = arith.constant 0 : i32
      %dma_start3A_10 = tpu.memref_slice %arg8[%add3A, %dma_start3A_9] : memref<32x10240xf32, #tpu.memory_space<hbm>> -> memref<1x10240xf32, #tpu.memory_space<hbm>>
      %dma_start3A_11 = tpu.memref_squeeze %dma_start3A_10 : memref<1x10240xf32, #tpu.memory_space<hbm>> -> memref<10240xf32, #tpu.memory_space<hbm>>
      tpu.enqueue_dma source(%arg14 : memref<10240xf32, #tpu.memory_space<vmem>>) target(%dma_start3A_11 : memref<10240xf32, #tpu.memory_space<hbm>>) target_semaphore(%run_scoped3A : memref<!tpu.dma_semaphore, #tpu.memory_space<semaphore_mem>>)
      %dma_wait3A = arith.constant 0 : i32
      %dma_wait3A_12 = tpu.memref_slice %arg8[%add3A, %dma_wait3A] : memref<32x10240xf32, #tpu.memory_space<hbm>> -> memref<1x10240xf32, #tpu.memory_space<hbm>>
      %dma_wait3A_13 = tpu.memref_squeeze %dma_wait3A_12 : memref<1x10240xf32, #tpu.memory_space<hbm>> -> memref<10240xf32, #tpu.memory_space<hbm>>
      %dma_wait3A_14 = arith.constant 0 : i32
      %dma_wait3A_15 = tpu.memref_slice %arg8[%add3A, %dma_wait3A_14] : memref<32x10240xf32, #tpu.memory_space<hbm>> -> memref<1x10240xf32, #tpu.memory_space<hbm>>
      %dma_wait3A_16 = tpu.memref_squeeze %dma_wait3A_15 : memref<1x10240xf32, #tpu.memory_space<hbm>> -> memref<10240xf32, #tpu.memory_space<hbm>>
      tpu.wait_dma2 semaphore(%run_scoped3A : memref<!tpu.dma_semaphore, #tpu.memory_space<semaphore_mem>>) src(%arg14 : memref<10240xf32, #tpu.memory_space<vmem>>) dst(%dma_wait3A_16 : memref<10240xf32, #tpu.memory_space<hbm>>)
      tpu.yield
    }) : () -> ()
    return
  }
}

#map = affine_map<(d0, d1) -> (0)>
#map1 = affine_map<(d0, d1) -> (0, 0)>
module attributes {stable_mosaic.version = 14 : i64} {
  func.func @deg_k(%arg0: i32, %arg1: i32, %arg2: memref<640000xi32, #tpu.memory_space<hbm>>, %arg3: memref<10240xf32, #tpu.memory_space<hbm>>, %arg4: memref<32x10240xf32, #tpu.memory_space<hbm>>, %arg5: memref<20000xi32, #tpu.memory_space<vmem>>, %arg6: memref<10240xf32, #tpu.memory_space<vmem>>) attributes {dimension_semantics = [#tpu.dimension_semantics<core_parallel>, #tpu.dimension_semantics<subcore_parallel>], iteration_bounds = array<i64: 2, 16>, scalar_prefetch = 0 : i64, scratch_operands = 2 : i64, tpu.core_type = #tpu.core_type<sc_vector_subcore>, window_params = [{transform_indices = #map}, {transform_indices = #map}, {transform_indices = #map1}]} {
    %mul3A = arith.constant 2 : i32
    %mul3A_0 = arith.muli %arg1, %mul3A : i32
    %add3A = arith.addi %mul3A_0, %arg0 : i32
    %mul3A_1 = arith.constant 20000 : i32
    %mul3A_2 = arith.muli %add3A, %mul3A_1 : i32
    "tpu.region"() ({
      %run_scoped3A = tpu.sem_alloc : memref<!tpu.dma_semaphore, #tpu.memory_space<semaphore_mem>>
      %dma_start3A = tpu.memref_slice %arg2[%mul3A_2] : memref<640000xi32, #tpu.memory_space<hbm>> -> memref<20000xi32, #tpu.memory_space<hbm>>
      %dma_start3A_6 = tpu.memref_slice %arg2[%mul3A_2] : memref<640000xi32, #tpu.memory_space<hbm>> -> memref<20000xi32, #tpu.memory_space<hbm>>
      tpu.enqueue_dma source(%dma_start3A_6 : memref<20000xi32, #tpu.memory_space<hbm>>) target(%arg5 : memref<20000xi32, #tpu.memory_space<vmem>>) target_semaphore(%run_scoped3A : memref<!tpu.dma_semaphore, #tpu.memory_space<semaphore_mem>>)
      %dma_wait3A = tpu.memref_slice %arg2[%mul3A_2] : memref<640000xi32, #tpu.memory_space<hbm>> -> memref<20000xi32, #tpu.memory_space<hbm>>
      %dma_wait3A_7 = tpu.memref_slice %arg2[%mul3A_2] : memref<640000xi32, #tpu.memory_space<hbm>> -> memref<20000xi32, #tpu.memory_space<hbm>>
      tpu.wait_dma2 semaphore(%run_scoped3A : memref<!tpu.dma_semaphore, #tpu.memory_space<semaphore_mem>>) src(%dma_wait3A_7 : memref<20000xi32, #tpu.memory_space<hbm>>) dst(%arg5 : memref<20000xi32, #tpu.memory_space<vmem>>)
      tpu.yield
    }) : () -> ()
    "tpu.region"() ({
      %run_scoped3A = tpu.sem_alloc : memref<!tpu.dma_semaphore, #tpu.memory_space<semaphore_mem>>
      tpu.enqueue_dma source(%arg3 : memref<10240xf32, #tpu.memory_space<hbm>>) target(%arg6 : memref<10240xf32, #tpu.memory_space<vmem>>) target_semaphore(%run_scoped3A : memref<!tpu.dma_semaphore, #tpu.memory_space<semaphore_mem>>)
      tpu.wait_dma2 semaphore(%run_scoped3A : memref<!tpu.dma_semaphore, #tpu.memory_space<semaphore_mem>>) src(%arg3 : memref<10240xf32, #tpu.memory_space<hbm>>) dst(%arg6 : memref<10240xf32, #tpu.memory_space<vmem>>)
      tpu.yield
    }) : () -> ()
    %broadcast_in_dim3A = arith.constant 1.000000e+00 : f32
    %broadcast_in_dim3A_3 = vector.broadcast %broadcast_in_dim3A : f32 to vector<16xf32>
    %parallel_loop3A = arith.constant 0 : i32
    %parallel_loop3A_4 = arith.constant 20000 : i32
    %parallel_loop3A_5 = arith.constant 16 : i32
    scf.for %parallel_loop3A_6 = %parallel_loop3A to %parallel_loop3A_4 step %parallel_loop3A_5  : i32 {
      %parallel_loop3A_7 = arith.index_cast %parallel_loop3A_6 : i32 to index
      %parallel_loop3A_8 = tpu.vector_load %arg5[%parallel_loop3A_7] {strides = array<i32>} : memref<20000xi32, #tpu.memory_space<vmem>>, vector<16xi32>,
      tpu.vector_store_idx %arg6[%parallel_loop3A_8], %broadcast_in_dim3A_3 {add = true} : memref<10240xf32, #tpu.memory_space<vmem>>[vector<16xi32>], vector<16xf32>,
    } {sc.loop_unroll_factor = 8 : i64, sc.parallel_access}
    "tpu.region"() ({
      %run_scoped3A = tpu.sem_alloc : memref<!tpu.dma_semaphore, #tpu.memory_space<semaphore_mem>>
      %dma_start3A = arith.constant 0 : i32
      %dma_start3A_6 = tpu.memref_slice %arg4[%add3A, %dma_start3A] : memref<32x10240xf32, #tpu.memory_space<hbm>> -> memref<1x10240xf32, #tpu.memory_space<hbm>>
      %dma_start3A_7 = tpu.memref_squeeze %dma_start3A_6 : memref<1x10240xf32, #tpu.memory_space<hbm>> -> memref<10240xf32, #tpu.memory_space<hbm>>
      %dma_start3A_8 = arith.constant 0 : i32
      %dma_start3A_9 = tpu.memref_slice %arg4[%add3A, %dma_start3A_8] : memref<32x10240xf32, #tpu.memory_space<hbm>> -> memref<1x10240xf32, #tpu.memory_space<hbm>>
      %dma_start3A_10 = tpu.memref_squeeze %dma_start3A_9 : memref<1x10240xf32, #tpu.memory_space<hbm>> -> memref<10240xf32, #tpu.memory_space<hbm>>
      tpu.enqueue_dma source(%arg6 : memref<10240xf32, #tpu.memory_space<vmem>>) target(%dma_start3A_10 : memref<10240xf32, #tpu.memory_space<hbm>>) target_semaphore(%run_scoped3A : memref<!tpu.dma_semaphore, #tpu.memory_space<semaphore_mem>>)
      %dma_wait3A = arith.constant 0 : i32
      %dma_wait3A_11 = tpu.memref_slice %arg4[%add3A, %dma_wait3A] : memref<32x10240xf32, #tpu.memory_space<hbm>> -> memref<1x10240xf32, #tpu.memory_space<hbm>>
      %dma_wait3A_12 = tpu.memref_squeeze %dma_wait3A_11 : memref<1x10240xf32, #tpu.memory_space<hbm>> -> memref<10240xf32, #tpu.memory_space<hbm>>
      %dma_wait3A_13 = arith.constant 0 : i32
      %dma_wait3A_14 = tpu.memref_slice %arg4[%add3A, %dma_wait3A_13] : memref<32x10240xf32, #tpu.memory_space<hbm>> -> memref<1x10240xf32, #tpu.memory_space<hbm>>
      %dma_wait3A_15 = tpu.memref_squeeze %dma_wait3A_14 : memref<1x10240xf32, #tpu.memory_space<hbm>> -> memref<10240xf32, #tpu.memory_space<hbm>>
      tpu.wait_dma2 semaphore(%run_scoped3A : memref<!tpu.dma_semaphore, #tpu.memory_space<semaphore_mem>>) src(%arg6 : memref<10240xf32, #tpu.memory_space<vmem>>) dst(%dma_wait3A_15 : memref<10240xf32, #tpu.memory_space<hbm>>)
      tpu.yield
    }) : () -> ()
    return
  }
}

#map = affine_map<(d0, d1) -> (0)>
#map1 = affine_map<(d0, d1) -> (0, 0)>
module attributes {stable_mosaic.version = 14 : i64} {
  func.func @gs1_k(%arg0: i32, %arg1: i32, %arg2: memref<640000xi32, #tpu.memory_space<hbm>>, %arg3: memref<640000xi32, #tpu.memory_space<hbm>>, %arg4: memref<10240xf32, #tpu.memory_space<hbm>>, %arg5: memref<10240xf32, #tpu.memory_space<hbm>>, %arg6: memref<32x10240xf32, #tpu.memory_space<hbm>>, %arg7: memref<20000xi32, #tpu.memory_space<vmem>>, %arg8: memref<20000xi32, #tpu.memory_space<vmem>>, %arg9: memref<10240xf32, #tpu.memory_space<vmem>>, %arg10: memref<10240xf32, #tpu.memory_space<vmem>>) attributes {dimension_semantics = [#tpu.dimension_semantics<core_parallel>, #tpu.dimension_semantics<subcore_parallel>], iteration_bounds = array<i64: 2, 16>, scalar_prefetch = 0 : i64, scratch_operands = 4 : i64, tpu.core_type = #tpu.core_type<sc_vector_subcore>, window_params = [{transform_indices = #map}, {transform_indices = #map}, {transform_indices = #map}, {transform_indices = #map}, {transform_indices = #map1}]} {
    %mul3A = arith.constant 2 : i32
    %mul3A_0 = arith.muli %arg1, %mul3A : i32
    %add3A = arith.addi %mul3A_0, %arg0 : i32
    "tpu.region"() ({
      %run_scoped3A = tpu.sem_alloc : memref<!tpu.dma_semaphore, #tpu.memory_space<semaphore_mem>>
      tpu.enqueue_dma source(%arg4 : memref<10240xf32, #tpu.memory_space<hbm>>) target(%arg9 : memref<10240xf32, #tpu.memory_space<vmem>>) target_semaphore(%run_scoped3A : memref<!tpu.dma_semaphore, #tpu.memory_space<semaphore_mem>>)
      tpu.wait_dma2 semaphore(%run_scoped3A : memref<!tpu.dma_semaphore, #tpu.memory_space<semaphore_mem>>) src(%arg4 : memref<10240xf32, #tpu.memory_space<hbm>>) dst(%arg9 : memref<10240xf32, #tpu.memory_space<vmem>>)
      tpu.yield
    }) : () -> ()
    %mul3A_1 = arith.constant 20000 : i32
    %mul3A_2 = arith.muli %add3A, %mul3A_1 : i32
    "tpu.region"() ({
      %run_scoped3A = tpu.sem_alloc : memref<!tpu.dma_semaphore, #tpu.memory_space<semaphore_mem>>
      %dma_start3A = tpu.memref_slice %arg2[%mul3A_2] : memref<640000xi32, #tpu.memory_space<hbm>> -> memref<20000xi32, #tpu.memory_space<hbm>>
      %dma_start3A_7 = tpu.memref_slice %arg2[%mul3A_2] : memref<640000xi32, #tpu.memory_space<hbm>> -> memref<20000xi32, #tpu.memory_space<hbm>>
      tpu.enqueue_dma source(%dma_start3A_7 : memref<20000xi32, #tpu.memory_space<hbm>>) target(%arg7 : memref<20000xi32, #tpu.memory_space<vmem>>) target_semaphore(%run_scoped3A : memref<!tpu.dma_semaphore, #tpu.memory_space<semaphore_mem>>)
      %dma_wait3A = tpu.memref_slice %arg2[%mul3A_2] : memref<640000xi32, #tpu.memory_space<hbm>> -> memref<20000xi32, #tpu.memory_space<hbm>>
      %dma_wait3A_8 = tpu.memref_slice %arg2[%mul3A_2] : memref<640000xi32, #tpu.memory_space<hbm>> -> memref<20000xi32, #tpu.memory_space<hbm>>
      tpu.wait_dma2 semaphore(%run_scoped3A : memref<!tpu.dma_semaphore, #tpu.memory_space<semaphore_mem>>) src(%dma_wait3A_8 : memref<20000xi32, #tpu.memory_space<hbm>>) dst(%arg7 : memref<20000xi32, #tpu.memory_space<vmem>>)
      tpu.yield
    }) : () -> ()
    %mul3A_3 = arith.constant 20000 : i32
    %mul3A_4 = arith.muli %add3A, %mul3A_3 : i32
    "tpu.region"() ({
      %run_scoped3A = tpu.sem_alloc : memref<!tpu.dma_semaphore, #tpu.memory_space<semaphore_mem>>
      %dma_start3A = tpu.memref_slice %arg3[%mul3A_4] : memref<640000xi32, #tpu.memory_space<hbm>> -> memref<20000xi32, #tpu.memory_space<hbm>>
      %dma_start3A_7 = tpu.memref_slice %arg3[%mul3A_4] : memref<640000xi32, #tpu.memory_space<hbm>> -> memref<20000xi32, #tpu.memory_space<hbm>>
      tpu.enqueue_dma source(%dma_start3A_7 : memref<20000xi32, #tpu.memory_space<hbm>>) target(%arg8 : memref<20000xi32, #tpu.memory_space<vmem>>) target_semaphore(%run_scoped3A : memref<!tpu.dma_semaphore, #tpu.memory_space<semaphore_mem>>)
      %dma_wait3A = tpu.memref_slice %arg3[%mul3A_4] : memref<640000xi32, #tpu.memory_space<hbm>> -> memref<20000xi32, #tpu.memory_space<hbm>>
      %dma_wait3A_8 = tpu.memref_slice %arg3[%mul3A_4] : memref<640000xi32, #tpu.memory_space<hbm>> -> memref<20000xi32, #tpu.memory_space<hbm>>
      tpu.wait_dma2 semaphore(%run_scoped3A : memref<!tpu.dma_semaphore, #tpu.memory_space<semaphore_mem>>) src(%dma_wait3A_8 : memref<20000xi32, #tpu.memory_space<hbm>>) dst(%arg8 : memref<20000xi32, #tpu.memory_space<vmem>>)
      tpu.yield
    }) : () -> ()
    "tpu.region"() ({
      %run_scoped3A = tpu.sem_alloc : memref<!tpu.dma_semaphore, #tpu.memory_space<semaphore_mem>>
      tpu.enqueue_dma source(%arg5 : memref<10240xf32, #tpu.memory_space<hbm>>) target(%arg10 : memref<10240xf32, #tpu.memory_space<vmem>>) target_semaphore(%run_scoped3A : memref<!tpu.dma_semaphore, #tpu.memory_space<semaphore_mem>>)
      tpu.wait_dma2 semaphore(%run_scoped3A : memref<!tpu.dma_semaphore, #tpu.memory_space<semaphore_mem>>) src(%arg5 : memref<10240xf32, #tpu.memory_space<hbm>>) dst(%arg10 : memref<10240xf32, #tpu.memory_space<vmem>>)
      tpu.yield
    }) : () -> ()
    %parallel_loop3A = arith.constant 0 : i32
    %parallel_loop3A_5 = arith.constant 20000 : i32
    %parallel_loop3A_6 = arith.constant 16 : i32
    scf.for %parallel_loop3A_7 = %parallel_loop3A to %parallel_loop3A_5 step %parallel_loop3A_6  : i32 {
      %parallel_loop3A_8 = arith.index_cast %parallel_loop3A_7 : i32 to index
      %parallel_loop3A_9 = tpu.vector_load %arg7[%parallel_loop3A_8] {strides = array<i32>} : memref<20000xi32, #tpu.memory_space<vmem>>, vector<16xi32>,
      %parallel_loop3A_10 = arith.index_cast %parallel_loop3A_7 : i32 to index
      %parallel_loop3A_11 = tpu.vector_load %arg8[%parallel_loop3A_10] {strides = array<i32>} : memref<20000xi32, #tpu.memory_space<vmem>>, vector<16xi32>,
      %parallel_loop3A_12 = tpu.vector_load_idx %arg9[%parallel_loop3A_9] : memref<10240xf32, #tpu.memory_space<vmem>>[vector<16xi32>], vector<16xf32>,
      tpu.vector_store_idx %arg10[%parallel_loop3A_11], %parallel_loop3A_12 {add = true} : memref<10240xf32, #tpu.memory_space<vmem>>[vector<16xi32>], vector<16xf32>,
    } {sc.loop_unroll_factor = 8 : i64, sc.parallel_access}
    "tpu.region"() ({
      %run_scoped3A = tpu.sem_alloc : memref<!tpu.dma_semaphore, #tpu.memory_space<semaphore_mem>>
      %dma_start3A = arith.constant 0 : i32
      %dma_start3A_7 = tpu.memref_slice %arg6[%add3A, %dma_start3A] : memref<32x10240xf32, #tpu.memory_space<hbm>> -> memref<1x10240xf32, #tpu.memory_space<hbm>>
      %dma_start3A_8 = tpu.memref_squeeze %dma_start3A_7 : memref<1x10240xf32, #tpu.memory_space<hbm>> -> memref<10240xf32, #tpu.memory_space<hbm>>
      %dma_start3A_9 = arith.constant 0 : i32
      %dma_start3A_10 = tpu.memref_slice %arg6[%add3A, %dma_start3A_9] : memref<32x10240xf32, #tpu.memory_space<hbm>> -> memref<1x10240xf32, #tpu.memory_space<hbm>>
      %dma_start3A_11 = tpu.memref_squeeze %dma_start3A_10 : memref<1x10240xf32, #tpu.memory_space<hbm>> -> memref<10240xf32, #tpu.memory_space<hbm>>
      tpu.enqueue_dma source(%arg10 : memref<10240xf32, #tpu.memory_space<vmem>>) target(%dma_start3A_11 : memref<10240xf32, #tpu.memory_space<hbm>>) target_semaphore(%run_scoped3A : memref<!tpu.dma_semaphore, #tpu.memory_space<semaphore_mem>>)
      %dma_wait3A = arith.constant 0 : i32
      %dma_wait3A_12 = tpu.memref_slice %arg6[%add3A, %dma_wait3A] : memref<32x10240xf32, #tpu.memory_space<hbm>> -> memref<1x10240xf32, #tpu.memory_space<hbm>>
      %dma_wait3A_13 = tpu.memref_squeeze %dma_wait3A_12 : memref<1x10240xf32, #tpu.memory_space<hbm>> -> memref<10240xf32, #tpu.memory_space<hbm>>
      %dma_wait3A_14 = arith.constant 0 : i32
      %dma_wait3A_15 = tpu.memref_slice %arg6[%add3A, %dma_wait3A_14] : memref<32x10240xf32, #tpu.memory_space<hbm>> -> memref<1x10240xf32, #tpu.memory_space<hbm>>
      %dma_wait3A_16 = tpu.memref_squeeze %dma_wait3A_15 : memref<1x10240xf32, #tpu.memory_space<hbm>> -> memref<10240xf32, #tpu.memory_space<hbm>>
      tpu.wait_dma2 semaphore(%run_scoped3A : memref<!tpu.dma_semaphore, #tpu.memory_space<semaphore_mem>>) src(%arg10 : memref<10240xf32, #tpu.memory_space<vmem>>) dst(%dma_wait3A_16 : memref<10240xf32, #tpu.memory_space<hbm>>)
      tpu.yield
    }) : () -> ()
    return
  }
}

module attributes {stable_mosaic.version = 14 : i64} {
  func.func @_tc_prep(%arg0: memref<32x80x128xf32, #tpu.memory_space<vmem>>, %arg1: memref<80x128xf32, #tpu.memory_space<vmem>>, %arg2: memref<80x128xf32, #tpu.memory_space<vmem>>, %arg3: memref<80x128xf32, #tpu.memory_space<vmem>>) attributes {dimension_semantics = [], scalar_prefetch = 0 : i64, scratch_operands = 0 : i64, tpu.core_type = #tpu.core_type<tc>} {
    %get3A = arith.constant 0 : index
    %get3A_0 = arith.constant 0 : index
    %get3A_1 = arith.constant 0 : index
    %get3A_2 = vector.load %arg0[%get3A, %get3A_0, %get3A_1] : memref<32x80x128xf32, #tpu.memory_space<vmem>>, vector<32x80x128xf32>
    %reduce_sum3A = arith.constant dense<0.000000e+00> : vector<80x128xf32>
    %reduce_sum3A_3 = vector.multi_reduction <add>, %get3A_2, %reduce_sum3A [0] : vector<32x80x128xf32> to vector<80x128xf32>
    %add3A = arith.constant 1.000000e+00 : f32
    %add3A_4 = vector.broadcast %add3A : f32 to vector<80x128xf32>
    %add3A_5 = arith.addf %reduce_sum3A_3, %add3A_4 : vector<80x128xf32>
    %rsqrt3A = math.rsqrt %add3A_5 : vector<80x128xf32>
    %swap3A = arith.constant 0 : index
    %swap3A_6 = arith.constant 0 : index
    %swap3A_7 = vector.load %arg2[%swap3A, %swap3A_6] : memref<80x128xf32, #tpu.memory_space<vmem>>, vector<80x128xf32>
    tpu.vector_store %arg2[%swap3A, %swap3A_6], %rsqrt3A {strides = array<i32>} : memref<80x128xf32, #tpu.memory_space<vmem>>, vector<80x128xf32>,
    %get3A_8 = arith.constant 0 : index
    %get3A_9 = arith.constant 0 : index
    %get3A_10 = vector.load %arg1[%get3A_8, %get3A_9] : memref<80x128xf32, #tpu.memory_space<vmem>>, vector<80x128xf32>
    %mul3A = arith.mulf %rsqrt3A, %get3A_10 : vector<80x128xf32>
    %swap3A_11 = arith.constant 0 : index
    %swap3A_12 = arith.constant 0 : index
    %swap3A_13 = vector.load %arg3[%swap3A_11, %swap3A_12] : memref<80x128xf32, #tpu.memory_space<vmem>>, vector<80x128xf32>
    tpu.vector_store %arg3[%swap3A_11, %swap3A_12], %mul3A {strides = array<i32>} : memref<80x128xf32, #tpu.memory_space<vmem>>, vector<80x128xf32>,
    return
  }
}

module attributes {stable_mosaic.version = 14 : i64} {
  func.func @_tc_mid(%arg0: memref<32x80x128xf32, #tpu.memory_space<vmem>>, %arg1: memref<80x128xf32, #tpu.memory_space<vmem>>, %arg2: memref<80x128xf32, #tpu.memory_space<vmem>>, %arg3: memref<4x16xf32, #tpu.memory_space<smem>>, %arg4: memref<80x128xf32, #tpu.memory_space<vmem>>, %arg5: memref<80x128xf32, #tpu.memory_space<vmem>>) attributes {dimension_semantics = [], scalar_prefetch = 0 : i64, scratch_operands = 0 : i64, tpu.core_type = #tpu.core_type<tc>} {
    %get3A = arith.constant 0 : index
    %get3A_0 = arith.constant 0 : index
    %get3A_1 = arith.constant 0 : index
    %get3A_2 = vector.load %arg0[%get3A, %get3A_0, %get3A_1] : memref<32x80x128xf32, #tpu.memory_space<vmem>>, vector<32x80x128xf32>
    %reduce_sum3A = arith.constant dense<0.000000e+00> : vector<80x128xf32>
    %reduce_sum3A_3 = vector.multi_reduction <add>, %get3A_2, %reduce_sum3A [0] : vector<32x80x128xf32> to vector<80x128xf32>
    %get3A_4 = arith.constant 0 : index
    %get3A_5 = arith.constant 0 : index
    %get3A_6 = vector.load %arg1[%get3A_4, %get3A_5] : memref<80x128xf32, #tpu.memory_space<vmem>>, vector<80x128xf32>
    %get3A_7 = arith.constant 0 : index
    %get3A_8 = arith.constant 0 : index
    %get3A_9 = vector.load %arg2[%get3A_7, %get3A_8] : memref<80x128xf32, #tpu.memory_space<vmem>>, vector<80x128xf32>
    %add3A = arith.addf %reduce_sum3A_3, %get3A_9 : vector<80x128xf32>
    %mul3A = arith.mulf %get3A_6, %add3A : vector<80x128xf32>
    %broadcast_in_dim3A = arith.constant 0.000000e+00 : f32
    %broadcast_in_dim3A_10 = vector.broadcast %broadcast_in_dim3A : f32 to vector<80x128xf32>
    %broadcast_in_dim3A_11 = arith.constant 0.000000e+00 : f32
    %broadcast_in_dim3A_12 = vector.broadcast %broadcast_in_dim3A_11 : f32 to vector<80x128xf32>
    %get3A_13 = arith.constant 0 : index
    %get3A_14 = arith.constant 0 : index
    %get3A_15 = memref.load %arg3[%get3A_13, %get3A_14] : memref<4x16xf32, #tpu.memory_space<smem>>
    %mul3A_16 = vector.broadcast %get3A_15 : f32 to vector<80x128xf32>
    %mul3A_17 = arith.mulf %mul3A, %mul3A_16 : vector<80x128xf32>
    %get3A_18 = arith.constant 1 : index
    %get3A_19 = arith.constant 0 : index
    %get3A_20 = memref.load %arg3[%get3A_18, %get3A_19] : memref<4x16xf32, #tpu.memory_space<smem>>
    %add3A_21 = vector.broadcast %get3A_20 : f32 to vector<80x128xf32>
    %add3A_22 = arith.addf %mul3A_17, %add3A_21 : vector<80x128xf32>
    %max3A = arith.constant 0.000000e+00 : f32
    %max3A_23 = vector.broadcast %max3A : f32 to vector<80x128xf32>
    %max3A_24 = arith.maximumf %add3A_22, %max3A_23 : vector<80x128xf32>
    %get3A_25 = arith.constant 2 : index
    %get3A_26 = arith.constant 0 : index
    %get3A_27 = memref.load %arg3[%get3A_25, %get3A_26] : memref<4x16xf32, #tpu.memory_space<smem>>
    %mul3A_28 = vector.broadcast %get3A_27 : f32 to vector<80x128xf32>
    %mul3A_29 = arith.mulf %max3A_24, %mul3A_28 : vector<80x128xf32>
    %add3A_30 = arith.addf %broadcast_in_dim3A_10, %mul3A_29 : vector<80x128xf32>
    %get3A_31 = arith.constant 3 : index
    %get3A_32 = arith.constant 0 : index
    %get3A_33 = memref.load %arg3[%get3A_31, %get3A_32] : memref<4x16xf32, #tpu.memory_space<smem>>
    %mul3A_34 = vector.broadcast %get3A_33 : f32 to vector<80x128xf32>
    %mul3A_35 = arith.mulf %max3A_24, %mul3A_34 : vector<80x128xf32>
    %add3A_36 = arith.addf %broadcast_in_dim3A_12, %mul3A_35 : vector<80x128xf32>
    %get3A_37 = arith.constant 0 : index
    %get3A_38 = arith.constant 1 : index
    %get3A_39 = memref.load %arg3[%get3A_37, %get3A_38] : memref<4x16xf32, #tpu.memory_space<smem>>
    %mul3A_40 = vector.broadcast %get3A_39 : f32 to vector<80x128xf32>
    %mul3A_41 = arith.mulf %mul3A, %mul3A_40 : vector<80x128xf32>
    %get3A_42 = arith.constant 1 : index
    %get3A_43 = arith.constant 1 : index
    %get3A_44 = memref.load %arg3[%get3A_42, %get3A_43] : memref<4x16xf32, #tpu.memory_space<smem>>
    %add3A_45 = vector.broadcast %get3A_44 : f32 to vector<80x128xf32>
    %add3A_46 = arith.addf %mul3A_41, %add3A_45 : vector<80x128xf32>
    %max3A_47 = arith.constant 0.000000e+00 : f32
    %max3A_48 = vector.broadcast %max3A_47 : f32 to vector<80x128xf32>
    %max3A_49 = arith.maximumf %add3A_46, %max3A_48 : vector<80x128xf32>
    %get3A_50 = arith.constant 2 : index
    %get3A_51 = arith.constant 1 : index
    %get3A_52 = memref.load %arg3[%get3A_50, %get3A_51] : memref<4x16xf32, #tpu.memory_space<smem>>
    %mul3A_53 = vector.broadcast %get3A_52 : f32 to vector<80x128xf32>
    %mul3A_54 = arith.mulf %max3A_49, %mul3A_53 : vector<80x128xf32>
    %add3A_55 = arith.addf %add3A_30, %mul3A_54 : vector<80x128xf32>
    %get3A_56 = arith.constant 3 : index
    %get3A_57 = arith.constant 1 : index
    %get3A_58 = memref.load %arg3[%get3A_56, %get3A_57] : memref<4x16xf32, #tpu.memory_space<smem>>
    %mul3A_59 = vector.broadcast %get3A_58 : f32 to vector<80x128xf32>
    %mul3A_60 = arith.mulf %max3A_49, %mul3A_59 : vector<80x128xf32>
    %add3A_61 = arith.addf %add3A_36, %mul3A_60 : vector<80x128xf32>
    %get3A_62 = arith.constant 0 : index
    %get3A_63 = arith.constant 2 : index
    %get3A_64 = memref.load %arg3[%get3A_62, %get3A_63] : memref<4x16xf32, #tpu.memory_space<smem>>
    %mul3A_65 = vector.broadcast %get3A_64 : f32 to vector<80x128xf32>
    %mul3A_66 = arith.mulf %mul3A, %mul3A_65 : vector<80x128xf32>
    %get3A_67 = arith.constant 1 : index
    %get3A_68 = arith.constant 2 : index
    %get3A_69 = memref.load %arg3[%get3A_67, %get3A_68] : memref<4x16xf32, #tpu.memory_space<smem>>
    %add3A_70 = vector.broadcast %get3A_69 : f32 to vector<80x128xf32>
    %add3A_71 = arith.addf %mul3A_66, %add3A_70 : vector<80x128xf32>
    %max3A_72 = arith.constant 0.000000e+00 : f32
    %max3A_73 = vector.broadcast %max3A_72 : f32 to vector<80x128xf32>
    %max3A_74 = arith.maximumf %add3A_71, %max3A_73 : vector<80x128xf32>
    %get3A_75 = arith.constant 2 : index
    %get3A_76 = arith.constant 2 : index
    %get3A_77 = memref.load %arg3[%get3A_75, %get3A_76] : memref<4x16xf32, #tpu.memory_space<smem>>
    %mul3A_78 = vector.broadcast %get3A_77 : f32 to vector<80x128xf32>
    %mul3A_79 = arith.mulf %max3A_74, %mul3A_78 : vector<80x128xf32>
    %add3A_80 = arith.addf %add3A_55, %mul3A_79 : vector<80x128xf32>
    %get3A_81 = arith.constant 3 : index
    %get3A_82 = arith.constant 2 : index
    %get3A_83 = memref.load %arg3[%get3A_81, %get3A_82] : memref<4x16xf32, #tpu.memory_space<smem>>
    %mul3A_84 = vector.broadcast %get3A_83 : f32 to vector<80x128xf32>
    %mul3A_85 = arith.mulf %max3A_74, %mul3A_84 : vector<80x128xf32>
    %add3A_86 = arith.addf %add3A_61, %mul3A_85 : vector<80x128xf32>
    %get3A_87 = arith.constant 0 : index
    %get3A_88 = arith.constant 3 : index
    %get3A_89 = memref.load %arg3[%get3A_87, %get3A_88] : memref<4x16xf32, #tpu.memory_space<smem>>
    %mul3A_90 = vector.broadcast %get3A_89 : f32 to vector<80x128xf32>
    %mul3A_91 = arith.mulf %mul3A, %mul3A_90 : vector<80x128xf32>
    %get3A_92 = arith.constant 1 : index
    %get3A_93 = arith.constant 3 : index
    %get3A_94 = memref.load %arg3[%get3A_92, %get3A_93] : memref<4x16xf32, #tpu.memory_space<smem>>
    %add3A_95 = vector.broadcast %get3A_94 : f32 to vector<80x128xf32>
    %add3A_96 = arith.addf %mul3A_91, %add3A_95 : vector<80x128xf32>
    %max3A_97 = arith.constant 0.000000e+00 : f32
    %max3A_98 = vector.broadcast %max3A_97 : f32 to vector<80x128xf32>
    %max3A_99 = arith.maximumf %add3A_96, %max3A_98 : vector<80x128xf32>
    %get3A_100 = arith.constant 2 : index
    %get3A_101 = arith.constant 3 : index
    %get3A_102 = memref.load %arg3[%get3A_100, %get3A_101] : memref<4x16xf32, #tpu.memory_space<smem>>
    %mul3A_103 = vector.broadcast %get3A_102 : f32 to vector<80x128xf32>
    %mul3A_104 = arith.mulf %max3A_99, %mul3A_103 : vector<80x128xf32>
    %add3A_105 = arith.addf %add3A_80, %mul3A_104 : vector<80x128xf32>
    %get3A_106 = arith.constant 3 : index
    %get3A_107 = arith.constant 3 : index
    %get3A_108 = memref.load %arg3[%get3A_106, %get3A_107] : memref<4x16xf32, #tpu.memory_space<smem>>
    %mul3A_109 = vector.broadcast %get3A_108 : f32 to vector<80x128xf32>
    %mul3A_110 = arith.mulf %max3A_99, %mul3A_109 : vector<80x128xf32>
    %add3A_111 = arith.addf %add3A_86, %mul3A_110 : vector<80x128xf32>
    %get3A_112 = arith.constant 0 : index
    %get3A_113 = arith.constant 4 : index
    %get3A_114 = memref.load %arg3[%get3A_112, %get3A_113] : memref<4x16xf32, #tpu.memory_space<smem>>
    %mul3A_115 = vector.broadcast %get3A_114 : f32 to vector<80x128xf32>
    %mul3A_116 = arith.mulf %mul3A, %mul3A_115 : vector<80x128xf32>
    %get3A_117 = arith.constant 1 : index
    %get3A_118 = arith.constant 4 : index
    %get3A_119 = memref.load %arg3[%get3A_117, %get3A_118] : memref<4x16xf32, #tpu.memory_space<smem>>
    %add3A_120 = vector.broadcast %get3A_119 : f32 to vector<80x128xf32>
    %add3A_121 = arith.addf %mul3A_116, %add3A_120 : vector<80x128xf32>
    %max3A_122 = arith.constant 0.000000e+00 : f32
    %max3A_123 = vector.broadcast %max3A_122 : f32 to vector<80x128xf32>
    %max3A_124 = arith.maximumf %add3A_121, %max3A_123 : vector<80x128xf32>
    %get3A_125 = arith.constant 2 : index
    %get3A_126 = arith.constant 4 : index
    %get3A_127 = memref.load %arg3[%get3A_125, %get3A_126] : memref<4x16xf32, #tpu.memory_space<smem>>
    %mul3A_128 = vector.broadcast %get3A_127 : f32 to vector<80x128xf32>
    %mul3A_129 = arith.mulf %max3A_124, %mul3A_128 : vector<80x128xf32>
    %add3A_130 = arith.addf %add3A_105, %mul3A_129 : vector<80x128xf32>
    %get3A_131 = arith.constant 3 : index
    %get3A_132 = arith.constant 4 : index
    %get3A_133 = memref.load %arg3[%get3A_131, %get3A_132] : memref<4x16xf32, #tpu.memory_space<smem>>
    %mul3A_134 = vector.broadcast %get3A_133 : f32 to vector<80x128xf32>
    %mul3A_135 = arith.mulf %max3A_124, %mul3A_134 : vector<80x128xf32>
    %add3A_136 = arith.addf %add3A_111, %mul3A_135 : vector<80x128xf32>
    %get3A_137 = arith.constant 0 : index
    %get3A_138 = arith.constant 5 : index
    %get3A_139 = memref.load %arg3[%get3A_137, %get3A_138] : memref<4x16xf32, #tpu.memory_space<smem>>
    %mul3A_140 = vector.broadcast %get3A_139 : f32 to vector<80x128xf32>
    %mul3A_141 = arith.mulf %mul3A, %mul3A_140 : vector<80x128xf32>
    %get3A_142 = arith.constant 1 : index
    %get3A_143 = arith.constant 5 : index
    %get3A_144 = memref.load %arg3[%get3A_142, %get3A_143] : memref<4x16xf32, #tpu.memory_space<smem>>
    %add3A_145 = vector.broadcast %get3A_144 : f32 to vector<80x128xf32>
    %add3A_146 = arith.addf %mul3A_141, %add3A_145 : vector<80x128xf32>
    %max3A_147 = arith.constant 0.000000e+00 : f32
    %max3A_148 = vector.broadcast %max3A_147 : f32 to vector<80x128xf32>
    %max3A_149 = arith.maximumf %add3A_146, %max3A_148 : vector<80x128xf32>
    %get3A_150 = arith.constant 2 : index
    %get3A_151 = arith.constant 5 : index
    %get3A_152 = memref.load %arg3[%get3A_150, %get3A_151] : memref<4x16xf32, #tpu.memory_space<smem>>
    %mul3A_153 = vector.broadcast %get3A_152 : f32 to vector<80x128xf32>
    %mul3A_154 = arith.mulf %max3A_149, %mul3A_153 : vector<80x128xf32>
    %add3A_155 = arith.addf %add3A_130, %mul3A_154 : vector<80x128xf32>
    %get3A_156 = arith.constant 3 : index
    %get3A_157 = arith.constant 5 : index
    %get3A_158 = memref.load %arg3[%get3A_156, %get3A_157] : memref<4x16xf32, #tpu.memory_space<smem>>
    %mul3A_159 = vector.broadcast %get3A_158 : f32 to vector<80x128xf32>
    %mul3A_160 = arith.mulf %max3A_149, %mul3A_159 : vector<80x128xf32>
    %add3A_161 = arith.addf %add3A_136, %mul3A_160 : vector<80x128xf32>
    %get3A_162 = arith.constant 0 : index
    %get3A_163 = arith.constant 6 : index
    %get3A_164 = memref.load %arg3[%get3A_162, %get3A_163] : memref<4x16xf32, #tpu.memory_space<smem>>
    %mul3A_165 = vector.broadcast %get3A_164 : f32 to vector<80x128xf32>
    %mul3A_166 = arith.mulf %mul3A, %mul3A_165 : vector<80x128xf32>
    %get3A_167 = arith.constant 1 : index
    %get3A_168 = arith.constant 6 : index
    %get3A_169 = memref.load %arg3[%get3A_167, %get3A_168] : memref<4x16xf32, #tpu.memory_space<smem>>
    %add3A_170 = vector.broadcast %get3A_169 : f32 to vector<80x128xf32>
    %add3A_171 = arith.addf %mul3A_166, %add3A_170 : vector<80x128xf32>
    %max3A_172 = arith.constant 0.000000e+00 : f32
    %max3A_173 = vector.broadcast %max3A_172 : f32 to vector<80x128xf32>
    %max3A_174 = arith.maximumf %add3A_171, %max3A_173 : vector<80x128xf32>
    %get3A_175 = arith.constant 2 : index
    %get3A_176 = arith.constant 6 : index
    %get3A_177 = memref.load %arg3[%get3A_175, %get3A_176] : memref<4x16xf32, #tpu.memory_space<smem>>
    %mul3A_178 = vector.broadcast %get3A_177 : f32 to vector<80x128xf32>
    %mul3A_179 = arith.mulf %max3A_174, %mul3A_178 : vector<80x128xf32>
    %add3A_180 = arith.addf %add3A_155, %mul3A_179 : vector<80x128xf32>
    %get3A_181 = arith.constant 3 : index
    %get3A_182 = arith.constant 6 : index
    %get3A_183 = memref.load %arg3[%get3A_181, %get3A_182] : memref<4x16xf32, #tpu.memory_space<smem>>
    %mul3A_184 = vector.broadcast %get3A_183 : f32 to vector<80x128xf32>
    %mul3A_185 = arith.mulf %max3A_174, %mul3A_184 : vector<80x128xf32>
    %add3A_186 = arith.addf %add3A_161, %mul3A_185 : vector<80x128xf32>
    %get3A_187 = arith.constant 0 : index
    %get3A_188 = arith.constant 7 : index
    %get3A_189 = memref.load %arg3[%get3A_187, %get3A_188] : memref<4x16xf32, #tpu.memory_space<smem>>
    %mul3A_190 = vector.broadcast %get3A_189 : f32 to vector<80x128xf32>
    %mul3A_191 = arith.mulf %mul3A, %mul3A_190 : vector<80x128xf32>
    %get3A_192 = arith.constant 1 : index
    %get3A_193 = arith.constant 7 : index
    %get3A_194 = memref.load %arg3[%get3A_192, %get3A_193] : memref<4x16xf32, #tpu.memory_space<smem>>
    %add3A_195 = vector.broadcast %get3A_194 : f32 to vector<80x128xf32>
    %add3A_196 = arith.addf %mul3A_191, %add3A_195 : vector<80x128xf32>
    %max3A_197 = arith.constant 0.000000e+00 : f32
    %max3A_198 = vector.broadcast %max3A_197 : f32 to vector<80x128xf32>
    %max3A_199 = arith.maximumf %add3A_196, %max3A_198 : vector<80x128xf32>
    %get3A_200 = arith.constant 2 : index
    %get3A_201 = arith.constant 7 : index
    %get3A_202 = memref.load %arg3[%get3A_200, %get3A_201] : memref<4x16xf32, #tpu.memory_space<smem>>
    %mul3A_203 = vector.broadcast %get3A_202 : f32 to vector<80x128xf32>
    %mul3A_204 = arith.mulf %max3A_199, %mul3A_203 : vector<80x128xf32>
    %add3A_205 = arith.addf %add3A_180, %mul3A_204 : vector<80x128xf32>
    %get3A_206 = arith.constant 3 : index
    %get3A_207 = arith.constant 7 : index
    %get3A_208 = memref.load %arg3[%get3A_206, %get3A_207] : memref<4x16xf32, #tpu.memory_space<smem>>
    %mul3A_209 = vector.broadcast %get3A_208 : f32 to vector<80x128xf32>
    %mul3A_210 = arith.mulf %max3A_199, %mul3A_209 : vector<80x128xf32>
    %add3A_211 = arith.addf %add3A_186, %mul3A_210 : vector<80x128xf32>
    %get3A_212 = arith.constant 0 : index
    %get3A_213 = arith.constant 8 : index
    %get3A_214 = memref.load %arg3[%get3A_212, %get3A_213] : memref<4x16xf32, #tpu.memory_space<smem>>
    %mul3A_215 = vector.broadcast %get3A_214 : f32 to vector<80x128xf32>
    %mul3A_216 = arith.mulf %mul3A, %mul3A_215 : vector<80x128xf32>
    %get3A_217 = arith.constant 1 : index
    %get3A_218 = arith.constant 8 : index
    %get3A_219 = memref.load %arg3[%get3A_217, %get3A_218] : memref<4x16xf32, #tpu.memory_space<smem>>
    %add3A_220 = vector.broadcast %get3A_219 : f32 to vector<80x128xf32>
    %add3A_221 = arith.addf %mul3A_216, %add3A_220 : vector<80x128xf32>
    %max3A_222 = arith.constant 0.000000e+00 : f32
    %max3A_223 = vector.broadcast %max3A_222 : f32 to vector<80x128xf32>
    %max3A_224 = arith.maximumf %add3A_221, %max3A_223 : vector<80x128xf32>
    %get3A_225 = arith.constant 2 : index
    %get3A_226 = arith.constant 8 : index
    %get3A_227 = memref.load %arg3[%get3A_225, %get3A_226] : memref<4x16xf32, #tpu.memory_space<smem>>
    %mul3A_228 = vector.broadcast %get3A_227 : f32 to vector<80x128xf32>
    %mul3A_229 = arith.mulf %max3A_224, %mul3A_228 : vector<80x128xf32>
    %add3A_230 = arith.addf %add3A_205, %mul3A_229 : vector<80x128xf32>
    %get3A_231 = arith.constant 3 : index
    %get3A_232 = arith.constant 8 : index
    %get3A_233 = memref.load %arg3[%get3A_231, %get3A_232] : memref<4x16xf32, #tpu.memory_space<smem>>
    %mul3A_234 = vector.broadcast %get3A_233 : f32 to vector<80x128xf32>
    %mul3A_235 = arith.mulf %max3A_224, %mul3A_234 : vector<80x128xf32>
    %add3A_236 = arith.addf %add3A_211, %mul3A_235 : vector<80x128xf32>
    %get3A_237 = arith.constant 0 : index
    %get3A_238 = arith.constant 9 : index
    %get3A_239 = memref.load %arg3[%get3A_237, %get3A_238] : memref<4x16xf32, #tpu.memory_space<smem>>
    %mul3A_240 = vector.broadcast %get3A_239 : f32 to vector<80x128xf32>
    %mul3A_241 = arith.mulf %mul3A, %mul3A_240 : vector<80x128xf32>
    %get3A_242 = arith.constant 1 : index
    %get3A_243 = arith.constant 9 : index
    %get3A_244 = memref.load %arg3[%get3A_242, %get3A_243] : memref<4x16xf32, #tpu.memory_space<smem>>
    %add3A_245 = vector.broadcast %get3A_244 : f32 to vector<80x128xf32>
    %add3A_246 = arith.addf %mul3A_241, %add3A_245 : vector<80x128xf32>
    %max3A_247 = arith.constant 0.000000e+00 : f32
    %max3A_248 = vector.broadcast %max3A_247 : f32 to vector<80x128xf32>
    %max3A_249 = arith.maximumf %add3A_246, %max3A_248 : vector<80x128xf32>
    %get3A_250 = arith.constant 2 : index
    %get3A_251 = arith.constant 9 : index
    %get3A_252 = memref.load %arg3[%get3A_250, %get3A_251] : memref<4x16xf32, #tpu.memory_space<smem>>
    %mul3A_253 = vector.broadcast %get3A_252 : f32 to vector<80x128xf32>
    %mul3A_254 = arith.mulf %max3A_249, %mul3A_253 : vector<80x128xf32>
    %add3A_255 = arith.addf %add3A_230, %mul3A_254 : vector<80x128xf32>
    %get3A_256 = arith.constant 3 : index
    %get3A_257 = arith.constant 9 : index
    %get3A_258 = memref.load %arg3[%get3A_256, %get3A_257] : memref<4x16xf32, #tpu.memory_space<smem>>
    %mul3A_259 = vector.broadcast %get3A_258 : f32 to vector<80x128xf32>
    %mul3A_260 = arith.mulf %max3A_249, %mul3A_259 : vector<80x128xf32>
    %add3A_261 = arith.addf %add3A_236, %mul3A_260 : vector<80x128xf32>
    %get3A_262 = arith.constant 0 : index
    %get3A_263 = arith.constant 10 : index
    %get3A_264 = memref.load %arg3[%get3A_262, %get3A_263] : memref<4x16xf32, #tpu.memory_space<smem>>
    %mul3A_265 = vector.broadcast %get3A_264 : f32 to vector<80x128xf32>
    %mul3A_266 = arith.mulf %mul3A, %mul3A_265 : vector<80x128xf32>
    %get3A_267 = arith.constant 1 : index
    %get3A_268 = arith.constant 10 : index
    %get3A_269 = memref.load %arg3[%get3A_267, %get3A_268] : memref<4x16xf32, #tpu.memory_space<smem>>
    %add3A_270 = vector.broadcast %get3A_269 : f32 to vector<80x128xf32>
    %add3A_271 = arith.addf %mul3A_266, %add3A_270 : vector<80x128xf32>
    %max3A_272 = arith.constant 0.000000e+00 : f32
    %max3A_273 = vector.broadcast %max3A_272 : f32 to vector<80x128xf32>
    %max3A_274 = arith.maximumf %add3A_271, %max3A_273 : vector<80x128xf32>
    %get3A_275 = arith.constant 2 : index
    %get3A_276 = arith.constant 10 : index
    %get3A_277 = memref.load %arg3[%get3A_275, %get3A_276] : memref<4x16xf32, #tpu.memory_space<smem>>
    %mul3A_278 = vector.broadcast %get3A_277 : f32 to vector<80x128xf32>
    %mul3A_279 = arith.mulf %max3A_274, %mul3A_278 : vector<80x128xf32>
    %add3A_280 = arith.addf %add3A_255, %mul3A_279 : vector<80x128xf32>
    %get3A_281 = arith.constant 3 : index
    %get3A_282 = arith.constant 10 : index
    %get3A_283 = memref.load %arg3[%get3A_281, %get3A_282] : memref<4x16xf32, #tpu.memory_space<smem>>
    %mul3A_284 = vector.broadcast %get3A_283 : f32 to vector<80x128xf32>
    %mul3A_285 = arith.mulf %max3A_274, %mul3A_284 : vector<80x128xf32>
    %add3A_286 = arith.addf %add3A_261, %mul3A_285 : vector<80x128xf32>
    %get3A_287 = arith.constant 0 : index
    %get3A_288 = arith.constant 11 : index
    %get3A_289 = memref.load %arg3[%get3A_287, %get3A_288] : memref<4x16xf32, #tpu.memory_space<smem>>
    %mul3A_290 = vector.broadcast %get3A_289 : f32 to vector<80x128xf32>
    %mul3A_291 = arith.mulf %mul3A, %mul3A_290 : vector<80x128xf32>
    %get3A_292 = arith.constant 1 : index
    %get3A_293 = arith.constant 11 : index
    %get3A_294 = memref.load %arg3[%get3A_292, %get3A_293] : memref<4x16xf32, #tpu.memory_space<smem>>
    %add3A_295 = vector.broadcast %get3A_294 : f32 to vector<80x128xf32>
    %add3A_296 = arith.addf %mul3A_291, %add3A_295 : vector<80x128xf32>
    %max3A_297 = arith.constant 0.000000e+00 : f32
    %max3A_298 = vector.broadcast %max3A_297 : f32 to vector<80x128xf32>
    %max3A_299 = arith.maximumf %add3A_296, %max3A_298 : vector<80x128xf32>
    %get3A_300 = arith.constant 2 : index
    %get3A_301 = arith.constant 11 : index
    %get3A_302 = memref.load %arg3[%get3A_300, %get3A_301] : memref<4x16xf32, #tpu.memory_space<smem>>
    %mul3A_303 = vector.broadcast %get3A_302 : f32 to vector<80x128xf32>
    %mul3A_304 = arith.mulf %max3A_299, %mul3A_303 : vector<80x128xf32>
    %add3A_305 = arith.addf %add3A_280, %mul3A_304 : vector<80x128xf32>
    %get3A_306 = arith.constant 3 : index
    %get3A_307 = arith.constant 11 : index
    %get3A_308 = memref.load %arg3[%get3A_306, %get3A_307] : memref<4x16xf32, #tpu.memory_space<smem>>
    %mul3A_309 = vector.broadcast %get3A_308 : f32 to vector<80x128xf32>
    %mul3A_310 = arith.mulf %max3A_299, %mul3A_309 : vector<80x128xf32>
    %add3A_311 = arith.addf %add3A_286, %mul3A_310 : vector<80x128xf32>
    %get3A_312 = arith.constant 0 : index
    %get3A_313 = arith.constant 12 : index
    %get3A_314 = memref.load %arg3[%get3A_312, %get3A_313] : memref<4x16xf32, #tpu.memory_space<smem>>
    %mul3A_315 = vector.broadcast %get3A_314 : f32 to vector<80x128xf32>
    %mul3A_316 = arith.mulf %mul3A, %mul3A_315 : vector<80x128xf32>
    %get3A_317 = arith.constant 1 : index
    %get3A_318 = arith.constant 12 : index
    %get3A_319 = memref.load %arg3[%get3A_317, %get3A_318] : memref<4x16xf32, #tpu.memory_space<smem>>
    %add3A_320 = vector.broadcast %get3A_319 : f32 to vector<80x128xf32>
    %add3A_321 = arith.addf %mul3A_316, %add3A_320 : vector<80x128xf32>
    %max3A_322 = arith.constant 0.000000e+00 : f32
    %max3A_323 = vector.broadcast %max3A_322 : f32 to vector<80x128xf32>
    %max3A_324 = arith.maximumf %add3A_321, %max3A_323 : vector<80x128xf32>
    %get3A_325 = arith.constant 2 : index
    %get3A_326 = arith.constant 12 : index
    %get3A_327 = memref.load %arg3[%get3A_325, %get3A_326] : memref<4x16xf32, #tpu.memory_space<smem>>
    %mul3A_328 = vector.broadcast %get3A_327 : f32 to vector<80x128xf32>
    %mul3A_329 = arith.mulf %max3A_324, %mul3A_328 : vector<80x128xf32>
    %add3A_330 = arith.addf %add3A_305, %mul3A_329 : vector<80x128xf32>
    %get3A_331 = arith.constant 3 : index
    %get3A_332 = arith.constant 12 : index
    %get3A_333 = memref.load %arg3[%get3A_331, %get3A_332] : memref<4x16xf32, #tpu.memory_space<smem>>
    %mul3A_334 = vector.broadcast %get3A_333 : f32 to vector<80x128xf32>
    %mul3A_335 = arith.mulf %max3A_324, %mul3A_334 : vector<80x128xf32>
    %add3A_336 = arith.addf %add3A_311, %mul3A_335 : vector<80x128xf32>
    %get3A_337 = arith.constant 0 : index
    %get3A_338 = arith.constant 13 : index
    %get3A_339 = memref.load %arg3[%get3A_337, %get3A_338] : memref<4x16xf32, #tpu.memory_space<smem>>
    %mul3A_340 = vector.broadcast %get3A_339 : f32 to vector<80x128xf32>
    %mul3A_341 = arith.mulf %mul3A, %mul3A_340 : vector<80x128xf32>
    %get3A_342 = arith.constant 1 : index
    %get3A_343 = arith.constant 13 : index
    %get3A_344 = memref.load %arg3[%get3A_342, %get3A_343] : memref<4x16xf32, #tpu.memory_space<smem>>
    %add3A_345 = vector.broadcast %get3A_344 : f32 to vector<80x128xf32>
    %add3A_346 = arith.addf %mul3A_341, %add3A_345 : vector<80x128xf32>
    %max3A_347 = arith.constant 0.000000e+00 : f32
    %max3A_348 = vector.broadcast %max3A_347 : f32 to vector<80x128xf32>
    %max3A_349 = arith.maximumf %add3A_346, %max3A_348 : vector<80x128xf32>
    %get3A_350 = arith.constant 2 : index
    %get3A_351 = arith.constant 13 : index
    %get3A_352 = memref.load %arg3[%get3A_350, %get3A_351] : memref<4x16xf32, #tpu.memory_space<smem>>
    %mul3A_353 = vector.broadcast %get3A_352 : f32 to vector<80x128xf32>
    %mul3A_354 = arith.mulf %max3A_349, %mul3A_353 : vector<80x128xf32>
    %add3A_355 = arith.addf %add3A_330, %mul3A_354 : vector<80x128xf32>
    %get3A_356 = arith.constant 3 : index
    %get3A_357 = arith.constant 13 : index
    %get3A_358 = memref.load %arg3[%get3A_356, %get3A_357] : memref<4x16xf32, #tpu.memory_space<smem>>
    %mul3A_359 = vector.broadcast %get3A_358 : f32 to vector<80x128xf32>
    %mul3A_360 = arith.mulf %max3A_349, %mul3A_359 : vector<80x128xf32>
    %add3A_361 = arith.addf %add3A_336, %mul3A_360 : vector<80x128xf32>
    %get3A_362 = arith.constant 0 : index
    %get3A_363 = arith.constant 14 : index
    %get3A_364 = memref.load %arg3[%get3A_362, %get3A_363] : memref<4x16xf32, #tpu.memory_space<smem>>
    %mul3A_365 = vector.broadcast %get3A_364 : f32 to vector<80x128xf32>
    %mul3A_366 = arith.mulf %mul3A, %mul3A_365 : vector<80x128xf32>
    %get3A_367 = arith.constant 1 : index
    %get3A_368 = arith.constant 14 : index
    %get3A_369 = memref.load %arg3[%get3A_367, %get3A_368] : memref<4x16xf32, #tpu.memory_space<smem>>
    %add3A_370 = vector.broadcast %get3A_369 : f32 to vector<80x128xf32>
    %add3A_371 = arith.addf %mul3A_366, %add3A_370 : vector<80x128xf32>
    %max3A_372 = arith.constant 0.000000e+00 : f32
    %max3A_373 = vector.broadcast %max3A_372 : f32 to vector<80x128xf32>
    %max3A_374 = arith.maximumf %add3A_371, %max3A_373 : vector<80x128xf32>
    %get3A_375 = arith.constant 2 : index
    %get3A_376 = arith.constant 14 : index
    %get3A_377 = memref.load %arg3[%get3A_375, %get3A_376] : memref<4x16xf32, #tpu.memory_space<smem>>
    %mul3A_378 = vector.broadcast %get3A_377 : f32 to vector<80x128xf32>
    %mul3A_379 = arith.mulf %max3A_374, %mul3A_378 : vector<80x128xf32>
    %add3A_380 = arith.addf %add3A_355, %mul3A_379 : vector<80x128xf32>
    %get3A_381 = arith.constant 3 : index
    %get3A_382 = arith.constant 14 : index
    %get3A_383 = memref.load %arg3[%get3A_381, %get3A_382] : memref<4x16xf32, #tpu.memory_space<smem>>
    %mul3A_384 = vector.broadcast %get3A_383 : f32 to vector<80x128xf32>
    %mul3A_385 = arith.mulf %max3A_374, %mul3A_384 : vector<80x128xf32>
    %add3A_386 = arith.addf %add3A_361, %mul3A_385 : vector<80x128xf32>
    %get3A_387 = arith.constant 0 : index
    %get3A_388 = arith.constant 15 : index
    %get3A_389 = memref.load %arg3[%get3A_387, %get3A_388] : memref<4x16xf32, #tpu.memory_space<smem>>
    %mul3A_390 = vector.broadcast %get3A_389 : f32 to vector<80x128xf32>
    %mul3A_391 = arith.mulf %mul3A, %mul3A_390 : vector<80x128xf32>
    %get3A_392 = arith.constant 1 : index
    %get3A_393 = arith.constant 15 : index
    %get3A_394 = memref.load %arg3[%get3A_392, %get3A_393] : memref<4x16xf32, #tpu.memory_space<smem>>
    %add3A_395 = vector.broadcast %get3A_394 : f32 to vector<80x128xf32>
    %add3A_396 = arith.addf %mul3A_391, %add3A_395 : vector<80x128xf32>
    %max3A_397 = arith.constant 0.000000e+00 : f32
    %max3A_398 = vector.broadcast %max3A_397 : f32 to vector<80x128xf32>
    %max3A_399 = arith.maximumf %add3A_396, %max3A_398 : vector<80x128xf32>
    %get3A_400 = arith.constant 2 : index
    %get3A_401 = arith.constant 15 : index
    %get3A_402 = memref.load %arg3[%get3A_400, %get3A_401] : memref<4x16xf32, #tpu.memory_space<smem>>
    %mul3A_403 = vector.broadcast %get3A_402 : f32 to vector<80x128xf32>
    %mul3A_404 = arith.mulf %max3A_399, %mul3A_403 : vector<80x128xf32>
    %add3A_405 = arith.addf %add3A_380, %mul3A_404 : vector<80x128xf32>
    %get3A_406 = arith.constant 3 : index
    %get3A_407 = arith.constant 15 : index
    %get3A_408 = memref.load %arg3[%get3A_406, %get3A_407] : memref<4x16xf32, #tpu.memory_space<smem>>
    %mul3A_409 = vector.broadcast %get3A_408 : f32 to vector<80x128xf32>
    %mul3A_410 = arith.mulf %max3A_399, %mul3A_409 : vector<80x128xf32>
    %add3A_411 = arith.addf %add3A_386, %mul3A_410 : vector<80x128xf32>
    %mul3A_412 = arith.mulf %get3A_6, %add3A_405 : vector<80x128xf32>
    %swap3A = arith.constant 0 : index
    %swap3A_413 = arith.constant 0 : index
    %swap3A_414 = vector.load %arg4[%swap3A, %swap3A_413] : memref<80x128xf32, #tpu.memory_space<vmem>>, vector<80x128xf32>
    tpu.vector_store %arg4[%swap3A, %swap3A_413], %mul3A_412 {strides = array<i32>} : memref<80x128xf32, #tpu.memory_space<vmem>>, vector<80x128xf32>,
    %mul3A_415 = arith.mulf %get3A_6, %add3A_411 : vector<80x128xf32>
    %swap3A_416 = arith.constant 0 : index
    %swap3A_417 = arith.constant 0 : index
    %swap3A_418 = vector.load %arg5[%swap3A_416, %swap3A_417] : memref<80x128xf32, #tpu.memory_space<vmem>>, vector<80x128xf32>
    tpu.vector_store %arg5[%swap3A_416, %swap3A_417], %mul3A_415 {strides = array<i32>} : memref<80x128xf32, #tpu.memory_space<vmem>>, vector<80x128xf32>,
    return
  }
}

module attributes {stable_mosaic.version = 14 : i64} {
  func.func @_tc_out(%arg0: memref<32x80x128xf32, #tpu.memory_space<vmem>>, %arg1: memref<32x80x128xf32, #tpu.memory_space<vmem>>, %arg2: memref<80x128xf32, #tpu.memory_space<vmem>>, %arg3: memref<80x128xf32, #tpu.memory_space<vmem>>, %arg4: memref<80x128xf32, #tpu.memory_space<vmem>>, %arg5: memref<2xf32, #tpu.memory_space<smem>>, %arg6: memref<80x128xf32, #tpu.memory_space<vmem>>, %arg7: memref<80x128xf32, #tpu.memory_space<vmem>>) attributes {dimension_semantics = [], scalar_prefetch = 0 : i64, scratch_operands = 0 : i64, tpu.core_type = #tpu.core_type<tc>} {
    %get3A = arith.constant 0 : index
    %get3A_0 = arith.constant 0 : index
    %get3A_1 = vector.load %arg2[%get3A, %get3A_0] : memref<80x128xf32, #tpu.memory_space<vmem>>, vector<80x128xf32>
    %get3A_2 = arith.constant 0 : index
    %get3A_3 = arith.constant 0 : index
    %get3A_4 = arith.constant 0 : index
    %get3A_5 = vector.load %arg0[%get3A_2, %get3A_3, %get3A_4] : memref<32x80x128xf32, #tpu.memory_space<vmem>>, vector<32x80x128xf32>
    %reduce_sum3A = arith.constant dense<0.000000e+00> : vector<80x128xf32>
    %reduce_sum3A_6 = vector.multi_reduction <add>, %get3A_5, %reduce_sum3A [0] : vector<32x80x128xf32> to vector<80x128xf32>
    %get3A_7 = arith.constant 0 : index
    %get3A_8 = arith.constant 0 : index
    %get3A_9 = vector.load %arg3[%get3A_7, %get3A_8] : memref<80x128xf32, #tpu.memory_space<vmem>>, vector<80x128xf32>
    %add3A = arith.addf %reduce_sum3A_6, %get3A_9 : vector<80x128xf32>
    %mul3A = arith.mulf %get3A_1, %add3A : vector<80x128xf32>
    %get3A_10 = arith.constant 0 : index
    %get3A_11 = memref.load %arg5[%get3A_10] : memref<2xf32, #tpu.memory_space<smem>>
    %add3A_12 = vector.broadcast %get3A_11 : f32 to vector<80x128xf32>
    %add3A_13 = arith.addf %mul3A, %add3A_12 : vector<80x128xf32>
    %get3A_14 = arith.constant 0 : index
    %get3A_15 = arith.constant 0 : index
    %get3A_16 = arith.constant 0 : index
    %get3A_17 = vector.load %arg1[%get3A_14, %get3A_15, %get3A_16] : memref<32x80x128xf32, #tpu.memory_space<vmem>>, vector<32x80x128xf32>
    %reduce_sum3A_18 = arith.constant dense<0.000000e+00> : vector<80x128xf32>
    %reduce_sum3A_19 = vector.multi_reduction <add>, %get3A_17, %reduce_sum3A_18 [0] : vector<32x80x128xf32> to vector<80x128xf32>
    %get3A_20 = arith.constant 0 : index
    %get3A_21 = arith.constant 0 : index
    %get3A_22 = vector.load %arg4[%get3A_20, %get3A_21] : memref<80x128xf32, #tpu.memory_space<vmem>>, vector<80x128xf32>
    %add3A_23 = arith.addf %reduce_sum3A_19, %get3A_22 : vector<80x128xf32>
    %mul3A_24 = arith.mulf %get3A_1, %add3A_23 : vector<80x128xf32>
    %get3A_25 = arith.constant 1 : index
    %get3A_26 = memref.load %arg5[%get3A_25] : memref<2xf32, #tpu.memory_space<smem>>
    %add3A_27 = vector.broadcast %get3A_26 : f32 to vector<80x128xf32>
    %add3A_28 = arith.addf %mul3A_24, %add3A_27 : vector<80x128xf32>
    %max3A = arith.maximumf %add3A_13, %add3A_28 : vector<80x128xf32>
    %sub3A = arith.subf %add3A_13, %max3A : vector<80x128xf32>
    %exp3A = math.exp %sub3A : vector<80x128xf32>
    %sub3A_29 = arith.subf %add3A_28, %max3A : vector<80x128xf32>
    %exp3A_30 = math.exp %sub3A_29 : vector<80x128xf32>
    %add3A_31 = arith.addf %exp3A, %exp3A_30 : vector<80x128xf32>
    %log3A = math.log %add3A_31 : vector<80x128xf32>
    %add3A_32 = arith.addf %max3A, %log3A : vector<80x128xf32>
    %sub3A_33 = arith.subf %add3A_13, %add3A_32 : vector<80x128xf32>
    %swap3A = arith.constant 0 : index
    %swap3A_34 = arith.constant 0 : index
    %swap3A_35 = vector.load %arg6[%swap3A, %swap3A_34] : memref<80x128xf32, #tpu.memory_space<vmem>>, vector<80x128xf32>
    tpu.vector_store %arg6[%swap3A, %swap3A_34], %sub3A_33 {strides = array<i32>} : memref<80x128xf32, #tpu.memory_space<vmem>>, vector<80x128xf32>,
    %sub3A_36 = arith.subf %add3A_28, %add3A_32 : vector<80x128xf32>
    %swap3A_37 = arith.constant 0 : index
    %swap3A_38 = arith.constant 0 : index
    %swap3A_39 = vector.load %arg7[%swap3A_37, %swap3A_38] : memref<80x128xf32, #tpu.memory_space<vmem>>, vector<80x128xf32>
    tpu.vector_store %arg7[%swap3A_37, %swap3A_38], %sub3A_36 {strides = array<i32>} : memref<80x128xf32, #tpu.memory_space<vmem>>, vector<80x128xf32>,
    return
  }
}

</mosaic_0001>

<sc_bundles>
// kernel: kernel.11.cloned.1.call-start
scs
__scs_entry_jumppad:
0x0: {  	(pc) =	sbr.rel $0x88, $3  }
0x1: {  	(tag) =	ssettag $0x0;
	lr =	simm.s32 $0x1  }
0x2: {  	[smem:$0x3F9B] =	sst lr;
	_ =	strace $0xD0000000  }
0x3: {  	_ = 	snop  }
0x4: {  	_ = 	snop  }
0x5: {  	_ = 	snop  }
0x6: {  	_ = 	snop  }
0x7: {  	_ = 	snop  }
__scs_overlays_trampoline_lowered:
0x8: {  	[smem:$0x3FAA] =	sst s0  }
0x9: {  	[smem:$0x3FAB] =	sst s1  }
0xa: {  	[smem:$0x3FAC] =	sst s2  }
0xb: {  	[smem:$0x3FAD] =	sst s3  }
0xc: {  	[smem:$0x3FAE] =	sst s4  }
0xd: {  	[smem:$0x3FAF] =	sst s5  }
0xe: {  	[smem:$0x3FB0] =	sst s6  }
0xf: {  	[smem:$0x3FB1] =	sst s7  }
0x10: {  	[smem:$0x3FB2] =	sst s8  }
0x11: {  	[smem:$0x3FB3] =	sst s9;
	s0 =	simm.s32 @!p0 $0x0  }
0x12: {  	s1 =	sld [smem:$0x3F99];
	s0 =	simm.s32 @p0 $0x1  }
0x13: {  	[smem:$0x3FB4] =	sst s0;
	s0 =	simm.s32 @!p1 $0x0  }
0x14: {  	s2 =	sld [smem:$0x3F98];
	s0 =	simm.s32 @p1 $0x1  }
0x15: {  	[smem:$0x3FB5] =	sst s0;
	s0 =	simm.s32 @!p2 $0x0  }
0x16: {  	s3 =	sld [smem:$0x3FDB];
	s0 =	simm.s32 @p2 $0x1  }
0x17: {  	s4 =	simm.s32 $0x1BF5;
	[smem:$0x3FB7] =	sst s0  }
0x18: {  	s0 =	sld [smem:$0x3F9A];
	_ =	swait.ge [sflag:s4], $0x0  }
0x19: {  	s7 =	sld [smem:$0x3F9B]  }
0x1a: {  	s8 =	sadd.s32 $0xFFFFE003, lr  }
0x1b: {  	s9 =	sadd.s32 $0xFFFFFEF7, lr;
	s5 =	simm.s32 $0xFFFFFFFF;
	p2 =	slt.u32 s8, $0xFFFFF086  }
0x1c: {  	p1 =	slt.u32 s9, $0xF7A;
	s5 =	simm.s32 @!p2 $0x0  }
0x1d: {  	s5 =	simm.s32 @p1 $0x1;
	p0 =	seq.s32 s7, s2  }
0x1e: {  	s7 =	smul.u32 @!p0 $0xF7A, s2;
	p2 =	seq.s32 @!p0 s5, $0x0  }
0x1f: {  	s9 =	smul.u32 $0xF7A, s1;
	s8 =	simm.s32 @!p0 $0x1BF5;
	p2 =	por !p2, p0  }
0x20: {  	[sflag:s8] =	ssyncset.s32 @!p0 $0xFFFFF086;
	s6 =	sadd.s32 @!p0 s3, s7;
	s7 =	simm.s32 @!p0 $0x108  }
0x21: {  	s3 =	sadd.s32 s3, s9;
	s6 =	sadd.s32 @!p0 $0x88, s6;
	s7 =	simm.s32 @p2 $0x1082  }
0x22: {  	[simem:s7], [sflag:s8] =	dma.local @!p0 [hbm:s6], $0xF7A  }
0x23: {  	s9 =	sor.u32 $0xD0000000, s2;
	s6 =	simm.s32 $0x108;
	_ =	swait.ge @!p0 [sflag:s8], $0x0  }
0x24: {  	s3 =	sadd.s32 $0x88, s3;
	s6 =	simm.s32 @!p1 $0x1082;
	[sflag:s4] =	ssyncset.s32 $0xFFFFF086  }
0x25: {  	[simem:s6], [sflag:s4] =	dma.local [hbm:s3], $0xF7A  }
0x26: {  	[smem:$0x3F9B] =	sst s1;
	(tag) =	ssettag s2;
	_ =	strace s9  }
0x27: {  	s1 =	sld [smem:$0x3FAB]  }
0x28: {  	s2 =	sld [smem:$0x3FAC]  }
0x29: {  	s4 =	sld [smem:$0x3FAE]  }
0x2a: {  	p0 =	seq.s32 s5, $0x0;
	s5 =	sld [smem:$0x3FAF]  }
0x2b: {  	s6 =	sld [smem:$0x3FB0]  }
0x2c: {  	s7 =	sld [smem:$0x3FB1]  }
0x2d: {  	s3 =	simm.s32 $0x108;
	s8 =	sld [smem:$0x3FB2]  }
0x2e: {  	s3 =	simm.s32 @!p0 $0x1082;
	s9 =	sld [smem:$0x3FB3]  }
0x2f: {  	lr =	sadd.s32 s0, s3;
	s0 =	sld [smem:$0x3FAA]  }
0x30: {  	s3 =	sld [smem:$0x3FAD]  }
0x31: {  	[smem:$0x3FB6] =	sst s10  }
0x32: {  	s10 =	sld [smem:$0x3FB4];
	_ =	sdelay $0x3  }
0x33: {  	p0 =	seq.s32 s10, $0x1;
	s10 =	sld [smem:$0x3FB6];
	_ =	sdelay $0x3  }
0x34: {  	[smem:$0x3FB6] =	sst s10  }
0x35: {  	s10 =	sld [smem:$0x3FB5];
	_ =	sdelay $0x3  }
0x36: {  	p1 =	seq.s32 s10, $0x1;
	s10 =	sld [smem:$0x3FB6];
	_ =	sdelay $0x3  }
0x37: {  	[smem:$0x3FB6] =	sst s10  }
0x38: {  	s10 =	sld [smem:$0x3FB7]  }
0x39: {  	_ = 	snop;
	(pc) =	sbr.ind lr, $3  }
0x3a: {  	_ = 	snop  }
0x3b: {  	_ = 	snop  }
0x3c: {  	p2 =	seq.s32 s10, $0x1;
	s10 =	sld [smem:$0x3FB6]  }
0x3d: {  	_ =	shalt  }
0x3e: {  	_ =	shalt  }
0x3f: {  	_ =	shalt  }
0x40: {  	_ =	shalt  }
0x41: {  	_ =	shalt  }
0x42: {  	_ =	shalt  }
0x43: {  	_ =	shalt  }
0x44: {  	_ =	shalt  }
0x45: {  	_ =	shalt  }
0x46: {  	_ =	shalt  }
0x47: {  	_ =	shalt  }
0x48: {  	_ =	shalt  }
0x49: {  	_ =	shalt  }
0x4a: {  	_ =	shalt  }
0x4b: {  	_ =	shalt  }
0x4c: {  	_ =	shalt  }
0x4d: {  	_ =	shalt  }
0x4e: {  	_ =	shalt  }
0x4f: {  	_ =	shalt  }
0x50: {  	_ =	shalt  }
0x51: {  	_ =	shalt  }
0x52: {  	_ =	shalt  }
0x53: {  	_ =	shalt  }
0x54: {  	_ =	shalt  }
0x55: {  	_ =	shalt  }
0x56: {  	_ =	shalt  }
0x57: {  	_ =	shalt  }
0x58: {  	_ =	shalt  }
0x59: {  	_ =	shalt  }
0x5a: {  	_ =	shalt  }
0x5b: {  	_ =	shalt  }
0x5c: {  	_ =	shalt  }
0x5d: {  	_ =	shalt  }
0x5e: {  	_ =	shalt  }
0x5f: {  	_ =	shalt  }
0x60: {  	_ =	shalt  }
0x61: {  	_ =	shalt  }
0x62: {  	_ =	shalt  }
0x63: {  	_ =	shalt  }
0x64: {  	_ =	shalt  }
0x65: {  	_ =	shalt  }
0x66: {  	_ =	shalt  }
0x67: {  	_ =	shalt  }
0x68: {  	_ =	shalt  }
0x69: {  	_ =	shalt  }
0x6a: {  	_ =	shalt  }
0x6b: {  	_ =	shalt  }
0x6c: {  	_ =	shalt  }
0x6d: {  	_ =	shalt  }
0x6e: {  	_ =	shalt  }
0x6f: {  	_ =	shalt  }
0x70: {  	_ =	shalt  }
0x71: {  	_ =	shalt  }
0x72: {  	_ =	shalt  }
0x73: {  	_ =	shalt  }
0x74: {  	_ =	shalt  }
0x75: {  	_ =	shalt  }
0x76: {  	_ =	shalt  }
0x77: {  	_ =	shalt  }
0x78: {  	_ =	shalt  }
0x79: {  	_ =	shalt  }
0x7a: {  	_ =	shalt  }
0x7b: {  	_ =	shalt  }
0x7c: {  	_ =	shalt  }
0x7d: {  	_ =	shalt  }
0x7e: {  	_ =	shalt  }
0x7f: {  	_ =	shalt  }
0x80: {  	_ =	shalt  }
0x81: {  	_ =	shalt  }
0x82: {  	_ =	shalt  }
0x83: {  	_ =	shalt  }
0x84: {  	_ =	shalt  }
0x85: {  	_ =	shalt  }
0x86: {  	_ =	shalt  }
0x87: {  	_ =	shalt  }
.Lfunc_end0:
.L_simem_size_0:
called_computation.1_lowered:
.L_overlay_start_0:
0x88: {  	s2 =	sld [smem:$0x3FD9]  }
0x89: {  	s3 =	sld [smem:$0x3FFE];
	_ =	sdelay $0x1  }
0x8a: {  	s1 =	srdreg.scid  }
0x8b: {  	s0 =	sand.u32 $0x1, s1  }
0x8c: {  	s17 =	sshll.u32 s0, $0xA;
	s2 =	sadd.s32 s3, s2  }
0x8d: {  	s2 =	sadd.s32 s2, s17  }
0x8e: {  	[smem:$0x3FC2] =	sst s2  }
0x8f: {  	_ = 	snop  }
0x90: {  	s2 =	sld [smem:$0x3FD0];
	(tm) =	ssettm $0x1  }
0x91: {  	s18 =	sld [smem:$0x3FFB];
	_ =	sdelay $0x3  }
0x92: {  	_ =	strace s18  }
0x93: {  	s3 =	sld [smem:$0x3FFC];
	_ =	sdelay $0x3  }
0x94: {  	_ =	strace s3  }
0x95: {  	s3 =	sld [smem:$0x3FFD];
	_ =	sdelay $0x3  }
0x96: {  	_ =	strace s3  }
0x97: {  	_ =	strace $0x8FFFFFFF  }
0x98: {  	s19 =	sld [smem:$0x3FDB];
	_ =	sdelay $0x1  }
0x99: {  	s4 =	simm.s32 $_scs_section_size  }
0x9a: {  	s5 =	simm.s32 $_size__tile_overlayer_lowered;
	s6 =	simm.s32 $_tile_overlayer_lowered  }
0x9b: {  	s22 =	simm.s32 $0x1BFF;
	s21 =	sshll.u32 s6, $0x1;
	s3 =	sadd.s32 s4, s19  }
0x9c: {  	s7 =	simm.s32 $0x0;
	s20 =	sshll.u32 s5, $0x1;
	s5 =	sadd.s32 s21, s3  }
0x9d: {  	[timem:s7], [sflag:s22] =	dma.local [hbm:s5], s20  }
0x9e: {  	_ =	swait.ge [sflag:s22], s20  }
0x9f: {  	s4 =	ssub.s32 $0x0, s20;
	[sflag:s22] =	ssyncset.done $0x0  }
0xa0: {  	[sflag:s22] =	ssyncadd.s32 s4;
	_ =	sdelay $0x1  }
0xa1: {  	s23 =	simm.s32 $0x1B8B  }
0xa2: {  	_ =	swait.ge [sflag:s23], $0x1  }
0xa3: {  	[sflag:s23] =	ssyncset.done $0x0  }
0xa4: {  	s25 =	simm.s32 $0x1B8E;
	s24 =	sld [smem:$0x3FFE];
	[sflag:s23] =	ssyncadd.s32 $0xFFFFFFFF  }
0xa5: {  	s26 =	simm.s32 $execute0_lowered;
	[smem:$0x3FD2] =	sst s25  }
0xa6: {  	s5 =	sshll.u32 s26, $0x1;
	_ =	strace $0x80000049;
	[dreg:$0x1] =	wrdreg $0xFFFFFFFF  }
0xa7: {  	s28 =	simm.s32 $_size_execute0_lowered;
	s3 =	sadd.s32 s3, s5;
	[dreg:$0x0] =	wrdreg $0x0  }
0xa8: {  	s5 =	sshll.u32 s28, $0x1;
	[dreg:$0x2] =	wrdreg s3  }
0xa9: {  	[dreg:$0x3] =	wrdreg s5  }
0xaa: {  	[dreg:$0x4] =	wrdreg $0xC0  }
0xab: {  	_ =	task [dreg:s7], $0x5FFFF  }
0xac: {  	[dreg:$0x1] =	wrdreg $0xFFFFFFFF  }
0xad: {  	[dreg:$0x0] =	wrdreg $0x60  }
0xae: {  	[dreg:$0x2] =	wrdreg s24  }
0xaf: {  	[dreg:$0x3] =	wrdreg s2  }
0xb0: {  	[dreg:$0x4] =	wrdreg $0x9  }
0xb1: {  	_ =	task.clear_ibuf [dreg:s7], $0x5FFFF;
	_ =	strace $0x90000049  }
0xb2: {  	s29 =	simm.s32 $0x9;
	_ =	strace $0x8000004B  }
0xb3: {  	_ =	swait.ge [sflag:s29], $0x1  }
0xb4: {  	[sflag:s29] =	ssyncadd.s32 $0xFFFFFFFF  }
0xb5: {  	_ =	strace $0x9000004B  }
0xb6: {  	_ =	sfence  }
0xb7: {  	s30 =	sld [smem:$0x0];
	_ =	sdelay $0x2  }
0xb8: {  	s31 =	sshll.u32 s1, $0xD;
	s1 =	sshrl.u32 s1, $0x2  }
0xb9: {  	s3 =	sand.u32 $0x4000, s31;
	s1 =	sadd.s32 s1, s30  }
0xba: {  	s0 =	sor.u32 s3, s0;
	s1 =	sshll.u32 s1, $0x11  }
0xbb: {  	s0 =	sor.u32 s1, s0  }
0xbc: {  	s0 =	sadd.s32 $0x8F2B, s0  }
0xbd: {  	[sflag:s0] =	ssyncadd.remote.s32 $0x1  }
0xbe: {  	_ =	sfence.sel $0xFFFF  }
0xbf: {  	[dreg:$0x0] =	wrdreg $0xFFFFFFFF;
	(pc) =	sbr.abs _section_cstart, $3  }
0xc0: {  	[dreg:$0x1] =	wrdreg $0xFFFFFFFF  }
0xc1: {  	_ =	task.clear_ibuf [dreg:s7], $0x2FFFF;
	_ =	strace $0x9FFFFFFF  }
0xc2: {  	(tm) =	ssettm $0x7FFFFFFF  }
0xc3: {  	_ =	shalt  }
tec
execute0_lowered:
.L_overlay_start_1:
0x0: {  	(tag) =	ssettag $0x1  }
0x1: {  	s5 =	rddreg [dreg:$0x0];
	s1 =	srdreg.scid  }
0x2: {  	s0 =	stileid.u32;
	s2 =	rddreg [dreg:$0x1];
	s9 =	simm.s32 $0x9D00  }
0x3: {  	s10 =	simm.s32 $0x1;
	s11 =	simm.s32 $0x4E80;
	s12 =	simm.s32 $0xC500  }
0x4: {  	s13 =	simm.s32 $0x80;
	s14 =	simm.s32 $0x400;
	s15 =	simm.s32 $0x0  }
0x5: {  	s4 =	sand.u32 $0x1, s1;
	s3 =	sshll.u32 s0, $0x1;
	s1 =	rddreg [dreg:$0x2]  }
0x6: {  	s7 =	sshrl.u32 s0, $0x2;
	s6 =	sor.u32 s4, s3;
	s3 =	simm.s32 $0x0  }
0x7: {  	s7 =	smul.u32 $0x14000, s7;
	s30 =	ssub.s32 $0x2, s4;
	s8 =	sshll.u32 s6, $0x7  }
0x8: {  	s4 =	sadd.s32 $0x2A200, s5;
	[smem:$0x7FF] =	sst s3;
	s8 =	sand.u32 $0x380, s8  }
0x9: {  	s6 =	smul.u32 $0x9C4, s6;
	s31 =	sshrl.u32 s30, $0x1;
	s7 =	sor.u32 s7, s8  }
0xa: {  	_ =	strace $0x8000004A;
	s8 =	ssub.s32 s30, s31;
	s7 =	sshrl.u32 s7, $0x3  }
0xb: {  	s6 =	sadd.s32 s6, s5;
	s8 =	smax.u32 s8, $0x1;
	s7 =	sadd.s32 s7, s5  }
0xc: {  	s5 =	sadd.s32 $0x16800, s6;
	s6 =	sadd.s32 $0x2E00, s6;
	s7 =	sadd.s32 $0x2A800, s7  }
.LBB2_1:
0xd: {  	[tilespmem:s9], [sflag:$0x1] =	stream.linear.gather [hbm4b:s4+s3], $0x2800, $0x38;
	[tilespmem:$0xED00] =	vst v63  }
0xe: {  	_ =	swait.ge [sflag:s10], $0x2800  }
0xf: {  	[sflag:s10] =	ssyncset.done $0x0  }
0x10: {  	[sflag:s10] =	ssyncadd.s32 $0xFFFFD800  }
0x11: {  	[tilespmem:s3], [sflag:$0x1] =	stream.linear.gather [hbm4b:s5+s3], $0x4E20, $0x38;
	[tilespmem:$0xED00] =	vst v63  }
0x12: {  	_ =	swait.ge [sflag:s10], $0x4E20  }
0x13: {  	[sflag:s10] =	ssyncset.done $0x0  }
0x14: {  	[sflag:s10] =	ssyncadd.s32 $0xFFFFB1E0  }
0x15: {  	[tilespmem:s11], [sflag:$0x1] =	stream.linear.gather [hbm4b:s6+s3], $0x4E20, $0x38;
	[tilespmem:$0xED00] =	vst v63  }
0x16: {  	_ =	swait.ge [sflag:s10], $0x4E20  }
0x17: {  	[sflag:s10] =	ssyncset.done $0x0  }
0x18: {  	[sflag:s10] =	ssyncadd.s32 $0xFFFFB1E0  }
0x19: {  	[tilespmem:s12], [sflag:$0x1] =	stream.linear.gather [hbm4b:s2+s3], $0x2800, $0x38;
	[tilespmem:$0xED00] =	vst v63  }
0x1a: {  	_ =	swait.ge [sflag:s10], $0x2800  }
0x1b: {  	[sflag:s10] =	ssyncset.done $0x0  }
0x1c: {  	s17 =	simm.s32 $0x40;
	[sflag:s10] =	ssyncadd.s32 $0xFFFFD800  }
0x1d: {  	v0 =	vld [tilespmem:s17+$0x30]  }
0x1e: {  	v1 =	vld [tilespmem:s17+$0xFFFFFFD0]  }
0x1f: {  	v2 =	vld [tilespmem:s17+$0xFFFFFFE0]  }
0x20: {  	v3 =	vld [tilespmem:s17+$0xFFFFFFF0]  }
0x21: {  	v4 =	vld [tilespmem:s17+$0x0]  }
0x22: {  	s16 =	simm.s32 $0x4EC0;
	v5 =	vld [tilespmem:s17+$0x10]  }
0x23: {  	v6 =	vld [tilespmem:s16+$0x30]  }
0x24: {  	v7 =	vld [tilespmem:s17+$0x20]  }
0x25: {  	v8 =	vld [tilespmem:s17+$0xFFFFFFC0]  }
0x26: {  	v63 =	vld [tilespmem:s16+$0xFFFFFFC0]  }
0x27: {  	v10 =	vld [tilespmem:s16+$0xFFFFFFD0]  }
0x28: {  	v11 =	vld [tilespmem:s16+$0xFFFFFFE0]  }
0x29: {  	v12 =	vld [tilespmem:s16+$0xFFFFFFF0]  }
0x2a: {  	v13 =	vld [tilespmem:s16+$0x0]  }
0x2b: {  	v14 =	vld [tilespmem:s16+$0x10]  }
0x2c: {  	v0 =	vld.idx.msk [tilespmem:v0+s9+$0x0], $0xffff  }
0x2d: {  	v9 =	vld.idx.msk [tilespmem:v1+s9+$0x0], $0xffff  }
0x2e: {  	v2 =	vld.idx.msk [tilespmem:v2+s9+$0x0], $0xffff  }
0x2f: {  	v3 =	vld.idx.msk [tilespmem:v3+s9+$0x0], $0xffff  }
0x30: {  	v4 =	vld.idx.msk [tilespmem:v4+s9+$0x0], $0xffff  }
0x31: {  	v62 =	vld.idx.msk [tilespmem:v8+s9+$0x0], $0xffff  }
0x32: {  	v5 =	vld.idx.msk [tilespmem:v5+s9+$0x0], $0xffff  }
0x33: {  	v1 =	vld [tilespmem:s16+$0x20]  }
0x34: {  	[tilespmem:v6+s12+$0x0] =	vst.idx.add.f32.msk $0xffff, v0  }
0x35: {  	v0 =	vld.idx.msk [tilespmem:v7+s9+$0x0], $0xffff  }
0x36: {  	[tilespmem:v63+s12+$0x0] =	vst.idx.add.f32.msk $0xffff, v62  }
0x37: {  	[tilespmem:v10+s12+$0x0] =	vst.idx.add.f32.msk $0xffff, v9  }
0x38: {  	[tilespmem:v11+s12+$0x0] =	vst.idx.add.f32.msk $0xffff, v2  }
0x39: {  	[tilespmem:v12+s12+$0x0] =	vst.idx.add.f32.msk $0xffff, v3  }
0x3a: {  	s20 =	simm.s32 $0x0;
	s18 =	simm.s32 $0x9C80;
	[tilespmem:v13+s12+$0x0] =	vst.idx.add.f32.msk $0xffff, v4  }
0x3b: {  	s19 =	simm.s32 $0x4E00;
	s21 =	simm.s32 $0xC0;
	s17 =	simm.s32 $0x4DF0;
	[tilespmem:v14+s12+$0x0] =	vst.idx.add.f32.msk $0xffff, v5  }
.LBB2_2:
0x3c: {  	v2 =	vld [tilespmem:s21+$0x30];
	s20 =	sadd.s32 $0x80, s20  }
0x3d: {  	v3 =	vld [tilespmem:s21+$0xFFFFFFD0];
	p0 =	slt.u32 s20, $0x4D80  }
0x3e: {  	v4 =	vld [tilespmem:s21+$0xFFFFFFE0]  }
0x3f: {  	v5 =	vld [tilespmem:s21+$0xFFFFFFF0]  }
0x40: {  	v6 =	vld [tilespmem:s21+$0x0]  }
0x41: {  	s16 =	sadd.s32 $0x80, s16;
	v7 =	vld [tilespmem:s21+$0x10]  }
0x42: {  	v8 =	vld [tilespmem:s16+$0x30]  }
0x43: {  	v9 =	vld [tilespmem:s21+$0x20]  }
0x44: {  	v2 =	vld.idx.msk [tilespmem:v2+s9+$0x0], $0xffff  }
0x45: {  	v10 =	vld [tilespmem:s21+$0xFFFFFFC0]  }
0x46: {  	v3 =	vld.idx.msk [tilespmem:v3+s9+$0x0], $0xffff  }
0x47: {  	v4 =	vld.idx.msk [tilespmem:v4+s9+$0x0], $0xffff  }
0x48: {  	v5 =	vld.idx.msk [tilespmem:v5+s9+$0x0], $0xffff  }
0x49: {  	v6 =	vld.idx.msk [tilespmem:v6+s9+$0x0], $0xffff  }
0x4a: {  	[tilespmem:v8+s12+$0x0] =	vst.idx.add.f32.msk $0xffff, v2  }
0x4b: {  	v2 =	vld.idx.msk [tilespmem:v7+s9+$0x0], $0xffff  }
0x4c: {  	v7 =	vld.idx.msk [tilespmem:v9+s9+$0x0], $0xffff  }
0x4d: {  	v8 =	vld.idx.msk [tilespmem:v10+s9+$0x0], $0xffff  }
0x4e: {  	v9 =	vld [tilespmem:s16+$0xFFFFFFC0]  }
0x4f: {  	v10 =	vld [tilespmem:s16+$0xFFFFFFD0]  }
0x50: {  	v11 =	vld [tilespmem:s16+$0xFFFFFFE0]  }
0x51: {  	v12 =	vld [tilespmem:s16+$0xFFFFFFF0]  }
0x52: {  	v13 =	vld [tilespmem:s16+$0x0]  }
0x53: {  	v14 =	vld [tilespmem:s16+$0x10]  }
0x54: {  	v15 =	vld [tilespmem:s16+$0x20]  }
0x55: {  	[tilespmem:v1+s12+$0x0] =	vst.idx.add.f32.msk $0xffff, v0;
	v0 =	vmov v7  }
0x56: {  	[tilespmem:v9+s12+$0x0] =	vst.idx.add.f32.msk $0xffff, v8  }
.Ltmp0:
0x57: {  	[tilespmem:v10+s12+$0x0] =	vst.idx.add.f32.msk $0xffff, v3;
	(pc) =	sbr.rel @p0 .LBB2_2-.Ltmp0, $4  }
0x58: {  	[tilespmem:v11+s12+$0x0] =	vst.idx.add.f32.msk $0xffff, v4  }
0x59: {  	[tilespmem:v12+s12+$0x0] =	vst.idx.add.f32.msk $0xffff, v5;
	v1 =	vmov v15  }
0x5a: {  	[tilespmem:v13+s12+$0x0] =	vst.idx.add.f32.msk $0xffff, v6  }
0x5b: {  	s21 =	sadd.s32 $0x80, s21;
	[tilespmem:v14+s12+$0x0] =	vst.idx.add.f32.msk $0xffff, v2  }
0x5c: {  	_ =	sdelay $0x3  }
0x5d: {  	[tilespmem:v1+s12+$0x0] =	vst.idx.add.f32.msk $0xffff, v0  }
.LBB2_4:
0x5e: {  	v0 =	vld [tilespmem:s19+$0x0];
	_ =	sdelay $0x4  }
0x5f: {  	v1 =	vld [tilespmem:s18+$0x0];
	_ =	sdelay $0x1  }
0x60: {  	s17 =	sadd.s32 $0x10, s17  }
0x61: {  	p0 =	slt.u32 s17, $0x4E10;
	v0 =	vld.idx.msk [tilespmem:v0+s9+$0x0], $0xffff  }
.Ltmp1:
0x62: {  	_ = 	snop;
	(pc) =	sbr.rel @p0 .LBB2_4-.Ltmp1, $2  }
0x63: {  	_ =	sdelay $0x2  }
0x64: {  	s18 =	sadd.s32 $0x10, s18;
	s19 =	sadd.s32 $0x10, s19;
	[tilespmem:v1+s12+$0x0] =	vst.idx.add.f32.msk $0xffff, v0  }
0x65: {  	s15 =	sadd.s32 $0x1, s15  }
0x66: {  	p0 =	sne.s32 s15, s8  }
.Ltmp2:
0x67: {  	_ = 	snop;
	(pc) =	sbr.rel @p0 .LBB2_1-.Ltmp2, $4  }
0x68: {  	[hbm4b:s7+s13] =	stream.strided.scatter [tilespmem:s12], [sflag:$0x1], $0x2800, s14, s13, $0x38;
	[tilespmem:$0xED00] =	vst v63  }
0x69: {  	_ =	swait.ge [sflag:s10], $0x2800  }
0x6a: {  	[sflag:s10] =	ssyncset.done $0x0  }
0x6b: {  	[sflag:s10] =	ssyncadd.s32 $0xFFFFD800  }
0x6c: {  	_ =	sfence.sel $0x180000  }
0x6d: {  	[bflag:$0x0] =	sbarrier.arrive $0xFFFF  }
0x6e: {  	p0 =	sne.s32 s0, $0x0;
	_ =	strace $0x9000004A  }
0x6f: {  	s0 =	sadd.s32 @!p0 $0x100000, s1;
	[bflag:$0x2] =	sbarrier.arrive $0xFFFF  }
0x70: {  	[sflag:s0] =	ssyncadd.tile.s32 @!p0 $0x1;
	_ =	shalt  }
.Lfunc_end2:
_tile_overlayer_lowered:
.L_overlay_start_2:
0x71: {  	(tag) =	ssettag $0x2  }
0x72: {  	s0 =	rddreg [dreg:$0x0];
	s2 =	stileid.u32  }
0x73: {  	s1 =	rddreg [dreg:$0x1];
	p0 =	sne.s32 s2, $0x0  }
0x74: {  	s3 =	rddreg [dreg:$0x2];
	[bflag:$0x3] =	sbarrier.arrive $0xFFFF;
	s2 =	simm.s32 @!p0 $0x1C01  }
0x75: {  	[timem:s3], [sflag:s2] =	dma.local @!p0 [hbm:s0], s1  }
0x76: {  	s0 =	simm.s32 @!p0 $0x1  }
0x77: {  	_ =	swait.ge @!p0 [sflag:s0], s1  }
0x78: {  	s1 =	ssub.s32 @!p0 $0x0, s1;
	[sflag:s0] =	ssyncset.done @!p0 $0x0  }
0x79: {  	[sflag:s0] =	ssyncadd.s32 @!p0 s1  }
0x7a: {  	[bflag:$0x3] =	sbarrier.arrive $0xFFFF  }
0x7b: {  	_ =	shalt  }

// kernel: kernel.14.cloned.1.call-start
scs
__scs_entry_jumppad:
0x0: {  	(pc) =	sbr.rel $0x88, $3  }
0x1: {  	(tag) =	ssettag $0x0;
	lr =	simm.s32 $0x1  }
0x2: {  	[smem:$0x3F9B] =	sst lr;
	_ =	strace $0xD0000000  }
0x3: {  	_ = 	snop  }
0x4: {  	_ = 	snop  }
0x5: {  	_ = 	snop  }
0x6: {  	_ = 	snop  }
0x7: {  	_ = 	snop  }
__scs_overlays_trampoline_lowered:
0x8: {  	[smem:$0x3FAA] =	sst s0  }
0x9: {  	[smem:$0x3FAB] =	sst s1  }
0xa: {  	[smem:$0x3FAC] =	sst s2  }
0xb: {  	[smem:$0x3FAD] =	sst s3  }
0xc: {  	[smem:$0x3FAE] =	sst s4  }
0xd: {  	[smem:$0x3FAF] =	sst s5  }
0xe: {  	[smem:$0x3FB0] =	sst s6  }
0xf: {  	[smem:$0x3FB1] =	sst s7  }
0x10: {  	[smem:$0x3FB2] =	sst s8  }
0x11: {  	[smem:$0x3FB3] =	sst s9;
	s0 =	simm.s32 @!p0 $0x0  }
0x12: {  	s1 =	sld [smem:$0x3F99];
	s0 =	simm.s32 @p0 $0x1  }
0x13: {  	[smem:$0x3FB4] =	sst s0;
	s0 =	simm.s32 @!p1 $0x0  }
0x14: {  	s2 =	sld [smem:$0x3F98];
	s0 =	simm.s32 @p1 $0x1  }
0x15: {  	[smem:$0x3FB5] =	sst s0;
	s0 =	simm.s32 @!p2 $0x0  }
0x16: {  	s3 =	sld [smem:$0x3FDB];
	s0 =	simm.s32 @p2 $0x1  }
0x17: {  	s4 =	simm.s32 $0x1BF5;
	[smem:$0x3FB7] =	sst s0  }
0x18: {  	s0 =	sld [smem:$0x3F9A];
	_ =	swait.ge [sflag:s4], $0x0  }
0x19: {  	s7 =	sld [smem:$0x3F9B]  }
0x1a: {  	s8 =	sadd.s32 $0xFFFFE003, lr  }
0x1b: {  	s9 =	sadd.s32 $0xFFFFFEF7, lr;
	s5 =	simm.s32 $0xFFFFFFFF;
	p2 =	slt.u32 s8, $0xFFFFF086  }
0x1c: {  	p1 =	slt.u32 s9, $0xF7A;
	s5 =	simm.s32 @!p2 $0x0  }
0x1d: {  	s5 =	simm.s32 @p1 $0x1;
	p0 =	seq.s32 s7, s2  }
0x1e: {  	s7 =	smul.u32 @!p0 $0xF7A, s2;
	p2 =	seq.s32 @!p0 s5, $0x0  }
0x1f: {  	s9 =	smul.u32 $0xF7A, s1;
	s8 =	simm.s32 @!p0 $0x1BF5;
	p2 =	por !p2, p0  }
0x20: {  	[sflag:s8] =	ssyncset.s32 @!p0 $0xFFFFF086;
	s6 =	sadd.s32 @!p0 s3, s7;
	s7 =	simm.s32 @!p0 $0x108  }
0x21: {  	s3 =	sadd.s32 s3, s9;
	s6 =	sadd.s32 @!p0 $0x88, s6;
	s7 =	simm.s32 @p2 $0x1082  }
0x22: {  	[simem:s7], [sflag:s8] =	dma.local @!p0 [hbm:s6], $0xF7A  }
0x23: {  	s9 =	sor.u32 $0xD0000000, s2;
	s6 =	simm.s32 $0x108;
	_ =	swait.ge @!p0 [sflag:s8], $0x0  }
0x24: {  	s3 =	sadd.s32 $0x88, s3;
	s6 =	simm.s32 @!p1 $0x1082;
	[sflag:s4] =	ssyncset.s32 $0xFFFFF086  }
0x25: {  	[simem:s6], [sflag:s4] =	dma.local [hbm:s3], $0xF7A  }
0x26: {  	[smem:$0x3F9B] =	sst s1;
	(tag) =	ssettag s2;
	_ =	strace s9  }
0x27: {  	s1 =	sld [smem:$0x3FAB]  }
0x28: {  	s2 =	sld [smem:$0x3FAC]  }
0x29: {  	s4 =	sld [smem:$0x3FAE]  }
0x2a: {  	p0 =	seq.s32 s5, $0x0;
	s5 =	sld [smem:$0x3FAF]  }
0x2b: {  	s6 =	sld [smem:$0x3FB0]  }
0x2c: {  	s7 =	sld [smem:$0x3FB1]  }
0x2d: {  	s3 =	simm.s32 $0x108;
	s8 =	sld [smem:$0x3FB2]  }
0x2e: {  	s3 =	simm.s32 @!p0 $0x1082;
	s9 =	sld [smem:$0x3FB3]  }
0x2f: {  	lr =	sadd.s32 s0, s3;
	s0 =	sld [smem:$0x3FAA]  }
0x30: {  	s3 =	sld [smem:$0x3FAD]  }
0x31: {  	[smem:$0x3FB6] =	sst s10  }
0x32: {  	s10 =	sld [smem:$0x3FB4];
	_ =	sdelay $0x3  }
0x33: {  	p0 =	seq.s32 s10, $0x1;
	s10 =	sld [smem:$0x3FB6];
	_ =	sdelay $0x3  }
0x34: {  	[smem:$0x3FB6] =	sst s10  }
0x35: {  	s10 =	sld [smem:$0x3FB5];
	_ =	sdelay $0x3  }
0x36: {  	p1 =	seq.s32 s10, $0x1;
	s10 =	sld [smem:$0x3FB6];
	_ =	sdelay $0x3  }
0x37: {  	[smem:$0x3FB6] =	sst s10  }
0x38: {  	s10 =	sld [smem:$0x3FB7]  }
0x39: {  	_ = 	snop;
	(pc) =	sbr.ind lr, $3  }
0x3a: {  	_ = 	snop  }
0x3b: {  	_ = 	snop  }
0x3c: {  	p2 =	seq.s32 s10, $0x1;
	s10 =	sld [smem:$0x3FB6]  }
0x3d: {  	_ =	shalt  }
0x3e: {  	_ =	shalt  }
0x3f: {  	_ =	shalt  }
0x40: {  	_ =	shalt  }
0x41: {  	_ =	shalt  }
0x42: {  	_ =	shalt  }
0x43: {  	_ =	shalt  }
0x44: {  	_ =	shalt  }
0x45: {  	_ =	shalt  }
0x46: {  	_ =	shalt  }
0x47: {  	_ =	shalt  }
0x48: {  	_ =	shalt  }
0x49: {  	_ =	shalt  }
0x4a: {  	_ =	shalt  }
0x4b: {  	_ =	shalt  }
0x4c: {  	_ =	shalt  }
0x4d: {  	_ =	shalt  }
0x4e: {  	_ =	shalt  }
0x4f: {  	_ =	shalt  }
0x50: {  	_ =	shalt  }
0x51: {  	_ =	shalt  }
0x52: {  	_ =	shalt  }
0x53: {  	_ =	shalt  }
0x54: {  	_ =	shalt  }
0x55: {  	_ =	shalt  }
0x56: {  	_ =	shalt  }
0x57: {  	_ =	shalt  }
0x58: {  	_ =	shalt  }
0x59: {  	_ =	shalt  }
0x5a: {  	_ =	shalt  }
0x5b: {  	_ =	shalt  }
0x5c: {  	_ =	shalt  }
0x5d: {  	_ =	shalt  }
0x5e: {  	_ =	shalt  }
0x5f: {  	_ =	shalt  }
0x60: {  	_ =	shalt  }
0x61: {  	_ =	shalt  }
0x62: {  	_ =	shalt  }
0x63: {  	_ =	shalt  }
0x64: {  	_ =	shalt  }
0x65: {  	_ =	shalt  }
0x66: {  	_ =	shalt  }
0x67: {  	_ =	shalt  }
0x68: {  	_ =	shalt  }
0x69: {  	_ =	shalt  }
0x6a: {  	_ =	shalt  }
0x6b: {  	_ =	shalt  }
0x6c: {  	_ =	shalt  }
0x6d: {  	_ =	shalt  }
0x6e: {  	_ =	shalt  }
0x6f: {  	_ =	shalt  }
0x70: {  	_ =	shalt  }
0x71: {  	_ =	shalt  }
0x72: {  	_ =	shalt  }
0x73: {  	_ =	shalt  }
0x74: {  	_ =	shalt  }
0x75: {  	_ =	shalt  }
0x76: {  	_ =	shalt  }
0x77: {  	_ =	shalt  }
0x78: {  	_ =	shalt  }
0x79: {  	_ =	shalt  }
0x7a: {  	_ =	shalt  }
0x7b: {  	_ =	shalt  }
0x7c: {  	_ =	shalt  }
0x7d: {  	_ =	shalt  }
0x7e: {  	_ =	shalt  }
0x7f: {  	_ =	shalt  }
0x80: {  	_ =	shalt  }
0x81: {  	_ =	shalt  }
0x82: {  	_ =	shalt  }
0x83: {  	_ =	shalt  }
0x84: {  	_ =	shalt  }
0x85: {  	_ =	shalt  }
0x86: {  	_ =	shalt  }
0x87: {  	_ =	shalt  }
.Lfunc_end0:
.L_simem_size_0:
called_computation.2_lowered:
.L_overlay_start_0:
0x88: {  	s2 =	sld [smem:$0x3FD9]  }
0x89: {  	s3 =	sld [smem:$0x3FFE];
	_ =	sdelay $0x1  }
0x8a: {  	s1 =	srdreg.scid  }
0x8b: {  	s0 =	sand.u32 $0x1, s1  }
0x8c: {  	s17 =	sshll.u32 s0, $0xA;
	s2 =	sadd.s32 s3, s2  }
0x8d: {  	s2 =	sadd.s32 s2, s17  }
0x8e: {  	[smem:$0x3FC2] =	sst s2  }
0x8f: {  	_ = 	snop  }
0x90: {  	s2 =	sld [smem:$0x3FD0];
	(tm) =	ssettm $0x1  }
0x91: {  	s18 =	sld [smem:$0x3FFB];
	_ =	sdelay $0x3  }
0x92: {  	_ =	strace s18  }
0x93: {  	s3 =	sld [smem:$0x3FFC];
	_ =	sdelay $0x3  }
0x94: {  	_ =	strace s3  }
0x95: {  	s3 =	sld [smem:$0x3FFD];
	_ =	sdelay $0x3  }
0x96: {  	_ =	strace s3  }
0x97: {  	_ =	strace $0x8FFFFFFF  }
0x98: {  	s19 =	sld [smem:$0x3FDB];
	_ =	sdelay $0x1  }
0x99: {  	s4 =	simm.s32 $_scs_section_size  }
0x9a: {  	s5 =	simm.s32 $_size__tile_overlayer_lowered;
	s6 =	simm.s32 $_tile_overlayer_lowered  }
0x9b: {  	s22 =	simm.s32 $0x1BFF;
	s21 =	sshll.u32 s6, $0x1;
	s3 =	sadd.s32 s4, s19  }
0x9c: {  	s7 =	simm.s32 $0x0;
	s20 =	sshll.u32 s5, $0x1;
	s5 =	sadd.s32 s21, s3  }
0x9d: {  	[timem:s7], [sflag:s22] =	dma.local [hbm:s5], s20  }
0x9e: {  	_ =	swait.ge [sflag:s22], s20  }
0x9f: {  	s4 =	ssub.s32 $0x0, s20;
	[sflag:s22] =	ssyncset.done $0x0  }
0xa0: {  	[sflag:s22] =	ssyncadd.s32 s4;
	_ =	sdelay $0x1  }
0xa1: {  	s23 =	simm.s32 $0x1B8B  }
0xa2: {  	_ =	swait.ge [sflag:s23], $0x1  }
0xa3: {  	[sflag:s23] =	ssyncset.done $0x0  }
0xa4: {  	s25 =	simm.s32 $0x1B8E;
	s24 =	sld [smem:$0x3FFE];
	[sflag:s23] =	ssyncadd.s32 $0xFFFFFFFF  }
0xa5: {  	s26 =	simm.s32 $execute0_lowered;
	[smem:$0x3FD2] =	sst s25  }
0xa6: {  	s5 =	sshll.u32 s26, $0x1;
	_ =	strace $0x8000004C;
	[dreg:$0x1] =	wrdreg $0xFFFFFFFF  }
0xa7: {  	s28 =	simm.s32 $_size_execute0_lowered;
	s3 =	sadd.s32 s3, s5;
	[dreg:$0x0] =	wrdreg $0x0  }
0xa8: {  	s5 =	sshll.u32 s28, $0x1;
	[dreg:$0x2] =	wrdreg s3  }
0xa9: {  	[dreg:$0x3] =	wrdreg s5  }
0xaa: {  	[dreg:$0x4] =	wrdreg $0xC0  }
0xab: {  	_ =	task [dreg:s7], $0x5FFFF  }
0xac: {  	[dreg:$0x1] =	wrdreg $0xFFFFFFFF  }
0xad: {  	[dreg:$0x0] =	wrdreg $0x60  }
0xae: {  	[dreg:$0x2] =	wrdreg s24  }
0xaf: {  	[dreg:$0x3] =	wrdreg s2  }
0xb0: {  	[dreg:$0x4] =	wrdreg $0x9  }
0xb1: {  	_ =	task.clear_ibuf [dreg:s7], $0x5FFFF;
	_ =	strace $0x9000004C  }
0xb2: {  	s29 =	simm.s32 $0x9;
	_ =	strace $0x8000004E  }
0xb3: {  	_ =	swait.ge [sflag:s29], $0x1  }
0xb4: {  	[sflag:s29] =	ssyncadd.s32 $0xFFFFFFFF  }
0xb5: {  	_ =	strace $0x9000004E  }
0xb6: {  	_ =	sfence  }
0xb7: {  	s30 =	sld [smem:$0x0];
	_ =	sdelay $0x2  }
0xb8: {  	s31 =	sshll.u32 s1, $0xD;
	s1 =	sshrl.u32 s1, $0x2  }
0xb9: {  	s3 =	sand.u32 $0x4000, s31;
	s1 =	sadd.s32 s1, s30  }
0xba: {  	s0 =	sor.u32 s3, s0;
	s1 =	sshll.u32 s1, $0x11  }
0xbb: {  	s0 =	sor.u32 s1, s0  }
0xbc: {  	s0 =	sadd.s32 $0x8F2B, s0  }
0xbd: {  	[sflag:s0] =	ssyncadd.remote.s32 $0x1  }
0xbe: {  	_ =	sfence.sel $0xFFFF  }
0xbf: {  	[dreg:$0x0] =	wrdreg $0xFFFFFFFF;
	(pc) =	sbr.abs _section_cstart, $3  }
0xc0: {  	[dreg:$0x1] =	wrdreg $0xFFFFFFFF  }
0xc1: {  	_ =	task.clear_ibuf [dreg:s7], $0x2FFFF;
	_ =	strace $0x9FFFFFFF  }
0xc2: {  	(tm) =	ssettm $0x7FFFFFFF  }
0xc3: {  	_ =	shalt  }
tec
execute0_lowered:
.L_overlay_start_1:
0x0: {  	(tag) =	ssettag $0x1  }
0x1: {  	s1 =	srdreg.scid  }
0x2: {  	s0 =	stileid.u32;
	s6 =	rddreg [dreg:$0x0]  }
0x3: {  	s2 =	rddreg [dreg:$0x1];
	s3 =	simm.s32 $0x0;
	s12 =	simm.s32 $0x1  }
0x4: {  	s13 =	simm.s32 $0xC500;
	s14 =	simm.s32 $0x4E80;
	s15 =	simm.s32 $0xED00  }
0x5: {  	s16 =	simm.s32 $0x11500;
	s17 =	simm.s32 $0x80;
	s18 =	simm.s32 $0x400  }
0x6: {  	s5 =	sand.u32 $0x1, s1;
	s30 =	sshll.u32 s0, $0x1;
	s8 =	sshrl.u32 s0, $0x2  }
0x7: {  	s19 =	simm.s32 $0x0;
	s4 =	sor.u32 s5, s30;
	s8 =	smul.u32 $0x14000, s8  }
0x8: {  	s1 =	rddreg [dreg:$0x2];
	s7 =	smul.u32 $0x9C4, s4;
	s4 =	sshll.u32 s4, $0x7  }
0x9: {  	[smem:$0x7FF] =	sst s3;
	s9 =	ssub.s32 $0x2, s5;
	s4 =	sand.u32 $0x380, s4  }
0xa: {  	_ =	strace $0x8000004D;
	s31 =	sshrl.u32 s9, $0x1;
	s8 =	sor.u32 s8, s4  }
0xb: {  	s5 =	sadd.s32 $0x2A800, s6;
	s11 =	ssub.s32 s9, s31;
	s8 =	sshrl.u32 s8, $0x3  }
0xc: {  	s7 =	sadd.s32 s7, s6;
	s4 =	sadd.s32 $0x2A200, s6;
	s10 =	sadd.s32 s8, s6  }
0xd: {  	s6 =	sadd.s32 $0x16800, s7;
	s7 =	sadd.s32 $0x2E00, s7;
	s8 =	sadd.s32 $0x2AE00, s10  }
0xe: {  	s9 =	sadd.s32 $0x34E00, s10;
	s10 =	smax.u32 s11, $0x1;
	s11 =	simm.s32 $0x9D00  }
.LBB2_1:
0xf: {  	[tilespmem:s11], [sflag:$0x1] =	stream.linear.gather [hbm4b:s4+s3], $0x2800, $0x38;
	[tilespmem:$0x13D00] =	vst v63  }
0x10: {  	_ =	swait.ge [sflag:s12], $0x2800  }
0x11: {  	[sflag:s12] =	ssyncset.done $0x0  }
0x12: {  	[sflag:s12] =	ssyncadd.s32 $0xFFFFD800  }
0x13: {  	[tilespmem:s13], [sflag:$0x1] =	stream.linear.gather [hbm4b:s5+s3], $0x2800, $0x38;
	[tilespmem:$0x13D00] =	vst v63  }
0x14: {  	_ =	swait.ge [sflag:s12], $0x2800  }
0x15: {  	[sflag:s12] =	ssyncset.done $0x0  }
0x16: {  	[sflag:s12] =	ssyncadd.s32 $0xFFFFD800  }
0x17: {  	[tilespmem:s3], [sflag:$0x1] =	stream.linear.gather [hbm4b:s6+s3], $0x4E20, $0x38;
	[tilespmem:$0x13D00] =	vst v63  }
0x18: {  	_ =	swait.ge [sflag:s12], $0x4E20  }
0x19: {  	[sflag:s12] =	ssyncset.done $0x0  }
0x1a: {  	[sflag:s12] =	ssyncadd.s32 $0xFFFFB1E0  }
0x1b: {  	[tilespmem:s14], [sflag:$0x1] =	stream.linear.gather [hbm4b:s7+s3], $0x4E20, $0x38;
	[tilespmem:$0x13D00] =	vst v63  }
0x1c: {  	_ =	swait.ge [sflag:s12], $0x4E20  }
0x1d: {  	[sflag:s12] =	ssyncset.done $0x0  }
0x1e: {  	[sflag:s12] =	ssyncadd.s32 $0xFFFFB1E0  }
0x1f: {  	[tilespmem:s15], [sflag:$0x1] =	stream.linear.gather [hbm4b:s2+s3], $0x2800, $0x38;
	[tilespmem:$0x13D00] =	vst v63  }
0x20: {  	_ =	swait.ge [sflag:s12], $0x2800  }
0x21: {  	[sflag:s12] =	ssyncset.done $0x0  }
0x22: {  	[sflag:s12] =	ssyncadd.s32 $0xFFFFD800  }
0x23: {  	[tilespmem:s16], [sflag:$0x1] =	stream.linear.gather [hbm4b:s2+s3], $0x2800, $0x38;
	[tilespmem:$0x13D00] =	vst v63  }
0x24: {  	_ =	swait.ge [sflag:s12], $0x2800  }
0x25: {  	[sflag:s12] =	ssyncset.done $0x0  }
0x26: {  	s21 =	simm.s32 $0x40;
	[sflag:s12] =	ssyncadd.s32 $0xFFFFD800  }
0x27: {  	v0 =	vld [tilespmem:s21+$0x30]  }
0x28: {  	v1 =	vld [tilespmem:s21+$0xFFFFFFD0]  }
0x29: {  	v2 =	vld [tilespmem:s21+$0xFFFFFFE0]  }
0x2a: {  	v3 =	vld [tilespmem:s21+$0xFFFFFFF0]  }
0x2b: {  	v4 =	vld [tilespmem:s21+$0x0]  }
0x2c: {  	s20 =	simm.s32 $0x4EC0;
	v5 =	vld [tilespmem:s21+$0x10]  }
0x2d: {  	v6 =	vld [tilespmem:s20+$0x30]  }
0x2e: {  	v7 =	vld [tilespmem:s21+$0x20]  }
0x2f: {  	v9 =	vld [tilespmem:s21+$0xFFFFFFC0]  }
0x30: {  	v16 =	vld [tilespmem:s20+$0xFFFFFFC0]  }
0x31: {  	v17 =	vld [tilespmem:s20+$0xFFFFFFD0]  }
0x32: {  	v62 =	vld [tilespmem:s20+$0xFFFFFFE0]  }
0x33: {  	v63 =	vld [tilespmem:s20+$0xFFFFFFF0]  }
0x34: {  	v18 =	vld [tilespmem:s20+$0x0]  }
0x35: {  	v19 =	vld [tilespmem:s20+$0x10]  }
0x36: {  	v20 =	vld [tilespmem:s20+$0x20]  }
0x37: {  	v8 =	vld.idx.msk [tilespmem:v0+s11+$0x0], $0xffff  }
0x38: {  	v10 =	vld.idx.msk [tilespmem:v1+s11+$0x0], $0xffff  }
0x39: {  	v11 =	vld.idx.msk [tilespmem:v2+s11+$0x0], $0xffff  }
0x3a: {  	v12 =	vld.idx.msk [tilespmem:v3+s11+$0x0], $0xffff  }
0x3b: {  	v14 =	vld.idx.msk [tilespmem:v9+s11+$0x0], $0xffff  }
0x3c: {  	v13 =	vld.idx.msk [tilespmem:v4+s11+$0x0], $0xffff  }
0x3d: {  	v61 =	vld.idx.msk [tilespmem:v5+s11+$0x0], $0xffff  }
0x3e: {  	v15 =	vld.idx.msk [tilespmem:v7+s11+$0x0], $0xffff  }
0x3f: {  	[tilespmem:v6+s15+$0x0] =	vst.idx.add.f32.msk $0xffff, v8  }
0x40: {  	[tilespmem:v16+s15+$0x0] =	vst.idx.add.f32.msk $0xffff, v14  }
0x41: {  	[tilespmem:v17+s15+$0x0] =	vst.idx.add.f32.msk $0xffff, v10  }
0x42: {  	[tilespmem:v62+s15+$0x0] =	vst.idx.add.f32.msk $0xffff, v11  }
0x43: {  	[tilespmem:v63+s15+$0x0] =	vst.idx.add.f32.msk $0xffff, v12  }
0x44: {  	[tilespmem:v18+s15+$0x0] =	vst.idx.add.f32.msk $0xffff, v13  }
0x45: {  	[tilespmem:v19+s15+$0x0] =	vst.idx.add.f32.msk $0xffff, v61  }
0x46: {  	[tilespmem:v20+s15+$0x0] =	vst.idx.add.f32.msk $0xffff, v15  }
0x47: {  	v0 =	vld.idx.msk [tilespmem:v0+s13+$0x0], $0xffff  }
0x48: {  	v9 =	vld.idx.msk [tilespmem:v9+s13+$0x0], $0xffff  }
0x49: {  	v1 =	vld.idx.msk [tilespmem:v1+s13+$0x0], $0xffff  }
0x4a: {  	v2 =	vld.idx.msk [tilespmem:v2+s13+$0x0], $0xffff  }
0x4b: {  	v3 =	vld.idx.msk [tilespmem:v3+s13+$0x0], $0xffff  }
0x4c: {  	v4 =	vld.idx.msk [tilespmem:v4+s13+$0x0], $0xffff  }
0x4d: {  	v5 =	vld.idx.msk [tilespmem:v5+s13+$0x0], $0xffff  }
0x4e: {  	v7 =	vld.idx.msk [tilespmem:v7+s13+$0x0], $0xffff  }
0x4f: {  	[tilespmem:v6+s16+$0x0] =	vst.idx.add.f32.msk $0xffff, v0  }
0x50: {  	[tilespmem:v16+s16+$0x0] =	vst.idx.add.f32.msk $0xffff, v9  }
0x51: {  	[tilespmem:v17+s16+$0x0] =	vst.idx.add.f32.msk $0xffff, v1  }
0x52: {  	[tilespmem:v62+s16+$0x0] =	vst.idx.add.f32.msk $0xffff, v2  }
0x53: {  	[tilespmem:v63+s16+$0x0] =	vst.idx.add.f32.msk $0xffff, v3  }
0x54: {  	[tilespmem:v18+s16+$0x0] =	vst.idx.add.f32.msk $0xffff, v4  }
0x55: {  	s24 =	simm.s32 $0x0;
	s22 =	simm.s32 $0x9C80;
	[tilespmem:v19+s16+$0x0] =	vst.idx.add.f32.msk $0xffff, v5  }
0x56: {  	s23 =	simm.s32 $0x4E00;
	s25 =	simm.s32 $0xC0;
	s21 =	simm.s32 $0x4DF0;
	[tilespmem:v20+s16+$0x0] =	vst.idx.add.f32.msk $0xffff, v7  }
.LBB2_2:
0x57: {  	v0 =	vld [tilespmem:s25+$0x30];
	s24 =	sadd.s32 $0x80, s24  }
0x58: {  	v1 =	vld [tilespmem:s25+$0xFFFFFFD0];
	p0 =	slt.u32 s24, $0x4D80  }
0x59: {  	v2 =	vld [tilespmem:s25+$0xFFFFFFE0]  }
0x5a: {  	v3 =	vld [tilespmem:s25+$0xFFFFFFF0]  }
0x5b: {  	v4 =	vld [tilespmem:s25+$0x0]  }
0x5c: {  	s20 =	sadd.s32 $0x80, s20;
	v5 =	vld [tilespmem:s25+$0x10]  }
0x5d: {  	v6 =	vld [tilespmem:s20+$0x30]  }
0x5e: {  	v7 =	vld [tilespmem:s25+$0x20]  }
0x5f: {  	v8 =	vld.idx.msk [tilespmem:v0+s11+$0x0], $0xffff  }
0x60: {  	v9 =	vld [tilespmem:s25+$0xFFFFFFC0]  }
0x61: {  	v10 =	vld.idx.msk [tilespmem:v1+s11+$0x0], $0xffff  }
0x62: {  	v11 =	vld.idx.msk [tilespmem:v2+s11+$0x0], $0xffff  }
0x63: {  	v12 =	vld.idx.msk [tilespmem:v3+s11+$0x0], $0xffff  }
0x64: {  	v13 =	vld.idx.msk [tilespmem:v4+s11+$0x0], $0xffff  }
0x65: {  	[tilespmem:v6+s15+$0x0] =	vst.idx.add.f32.msk $0xffff, v8  }
0x66: {  	v0 =	vld.idx.msk [tilespmem:v0+s13+$0x0], $0xffff  }
0x67: {  	v8 =	vld.idx.msk [tilespmem:v5+s11+$0x0], $0xffff  }
0x68: {  	v14 =	vld.idx.msk [tilespmem:v9+s11+$0x0], $0xffff  }
0x69: {  	v15 =	vld.idx.msk [tilespmem:v7+s11+$0x0], $0xffff  }
0x6a: {  	v16 =	vld [tilespmem:s20+$0xFFFFFFC0]  }
0x6b: {  	v17 =	vld [tilespmem:s20+$0xFFFFFFD0]  }
0x6c: {  	[tilespmem:v6+s16+$0x0] =	vst.idx.add.f32.msk $0xffff, v0  }
0x6d: {  	v0 =	vld [tilespmem:s20+$0xFFFFFFE0]  }
0x6e: {  	v6 =	vld [tilespmem:s20+$0xFFFFFFF0]  }
0x6f: {  	v18 =	vld [tilespmem:s20+$0x0]  }
0x70: {  	v19 =	vld [tilespmem:s20+$0x10]  }
0x71: {  	v20 =	vld [tilespmem:s20+$0x20]  }
0x72: {  	[tilespmem:v16+s15+$0x0] =	vst.idx.add.f32.msk $0xffff, v14  }
0x73: {  	[tilespmem:v17+s15+$0x0] =	vst.idx.add.f32.msk $0xffff, v10  }
0x74: {  	v9 =	vld.idx.msk [tilespmem:v9+s13+$0x0], $0xffff  }
0x75: {  	[tilespmem:v0+s15+$0x0] =	vst.idx.add.f32.msk $0xffff, v11  }
0x76: {  	[tilespmem:v6+s15+$0x0] =	vst.idx.add.f32.msk $0xffff, v12  }
0x77: {  	[tilespmem:v18+s15+$0x0] =	vst.idx.add.f32.msk $0xffff, v13  }
0x78: {  	[tilespmem:v19+s15+$0x0] =	vst.idx.add.f32.msk $0xffff, v8  }
0x79: {  	[tilespmem:v20+s15+$0x0] =	vst.idx.add.f32.msk $0xffff, v15  }
0x7a: {  	v1 =	vld.idx.msk [tilespmem:v1+s13+$0x0], $0xffff  }
0x7b: {  	v2 =	vld.idx.msk [tilespmem:v2+s13+$0x0], $0xffff  }
0x7c: {  	v3 =	vld.idx.msk [tilespmem:v3+s13+$0x0], $0xffff  }
0x7d: {  	v4 =	vld.idx.msk [tilespmem:v4+s13+$0x0], $0xffff  }
0x7e: {  	v5 =	vld.idx.msk [tilespmem:v5+s13+$0x0], $0xffff  }
0x7f: {  	v7 =	vld.idx.msk [tilespmem:v7+s13+$0x0], $0xffff  }
0x80: {  	[tilespmem:v16+s16+$0x0] =	vst.idx.add.f32.msk $0xffff, v9  }
0x81: {  	[tilespmem:v17+s16+$0x0] =	vst.idx.add.f32.msk $0xffff, v1  }
.Ltmp0:
0x82: {  	[tilespmem:v0+s16+$0x0] =	vst.idx.add.f32.msk $0xffff, v2;
	(pc) =	sbr.rel @p0 .LBB2_2-.Ltmp0, $4  }
0x83: {  	[tilespmem:v6+s16+$0x0] =	vst.idx.add.f32.msk $0xffff, v3  }
0x84: {  	[tilespmem:v18+s16+$0x0] =	vst.idx.add.f32.msk $0xffff, v4  }
0x85: {  	[tilespmem:v19+s16+$0x0] =	vst.idx.add.f32.msk $0xffff, v5  }
0x86: {  	s25 =	sadd.s32 $0x80, s25;
	[tilespmem:v20+s16+$0x0] =	vst.idx.add.f32.msk $0xffff, v7  }
.LBB2_3:
0x87: {  	v0 =	vld [tilespmem:s23+$0x0];
	_ =	sdelay $0x4  }
0x88: {  	v1 =	vld [tilespmem:s22+$0x0];
	_ =	sdelay $0x2  }
0x89: {  	v2 =	vld.idx.msk [tilespmem:v0+s11+$0x0], $0xffff;
	_ =	sdelay $0x4  }
0x8a: {  	s21 =	sadd.s32 $0x10, s21;
	[tilespmem:v1+s15+$0x0] =	vst.idx.add.f32.msk $0xffff, v2  }
0x8b: {  	p0 =	slt.u32 s21, $0x4E10;
	v0 =	vld.idx.msk [tilespmem:v0+s13+$0x0], $0xffff  }
.Ltmp1:
0x8c: {  	_ = 	snop;
	(pc) =	sbr.rel @p0 .LBB2_3-.Ltmp1, $2  }
0x8d: {  	_ =	sdelay $0x2  }
0x8e: {  	s22 =	sadd.s32 $0x10, s22;
	s23 =	sadd.s32 $0x10, s23;
	[tilespmem:v1+s16+$0x0] =	vst.idx.add.f32.msk $0xffff, v0  }
0x8f: {  	[hbm4b:s8+s17] =	stream.strided.scatter [tilespmem:s15], [sflag:$0x1], $0x2800, s18, s17, $0x38;
	[tilespmem:$0x13D00] =	vst v63  }
0x90: {  	s19 =	sadd.s32 $0x1, s19;
	_ =	swait.ge [sflag:s12], $0x2800  }
0x91: {  	p0 =	sne.s32 s19, s10;
	[sflag:s12] =	ssyncset.done $0x0  }
.Ltmp2:
0x92: {  	[sflag:s12] =	ssyncadd.s32 $0xFFFFD800;
	(pc) =	sbr.rel @p0 .LBB2_1-.Ltmp2, $4  }
0x93: {  	[hbm4b:s9+s17] =	stream.strided.scatter [tilespmem:s16], [sflag:$0x1], $0x2800, s18, s17, $0x38;
	[tilespmem:$0x13D00] =	vst v63  }
0x94: {  	_ =	swait.ge [sflag:s12], $0x2800  }
0x95: {  	[sflag:s12] =	ssyncset.done $0x0  }
0x96: {  	[sflag:s12] =	ssyncadd.s32 $0xFFFFD800  }
0x97: {  	_ =	sfence.sel $0x180000  }
0x98: {  	[bflag:$0x0] =	sbarrier.arrive $0xFFFF  }
0x99: {  	p0 =	sne.s32 s0, $0x0;
	_ =	strace $0x9000004D  }
0x9a: {  	s0 =	sadd.s32 @!p0 $0x100000, s1;
	[bflag:$0x2] =	sbarrier.arrive $0xFFFF  }
0x9b: {  	[sflag:s0] =	ssyncadd.tile.s32 @!p0 $0x1;
	_ =	shalt  }
.Lfunc_end2:
_tile_overlayer_lowered:
.L_overlay_start_2:
0x9c: {  	(tag) =	ssettag $0x2  }
0x9d: {  	s0 =	rddreg [dreg:$0x0];
	s2 =	stileid.u32  }
0x9e: {  	s1 =	rddreg [dreg:$0x1];
	p0 =	sne.s32 s2, $0x0  }
0x9f: {  	s3 =	rddreg [dreg:$0x2];
	[bflag:$0x3] =	sbarrier.arrive $0xFFFF;
	s2 =	simm.s32 @!p0 $0x1C01  }
0xa0: {  	[timem:s3], [sflag:s2] =	dma.local @!p0 [hbm:s0], s1  }
0xa1: {  	s0 =	simm.s32 @!p0 $0x1  }
0xa2: {  	_ =	swait.ge @!p0 [sflag:s0], s1  }
0xa3: {  	s1 =	ssub.s32 @!p0 $0x0, s1;
	[sflag:s0] =	ssyncset.done @!p0 $0x0  }
0xa4: {  	[sflag:s0] =	ssyncadd.s32 @!p0 s1  }
0xa5: {  	[bflag:$0x3] =	sbarrier.arrive $0xFFFF  }
0xa6: {  	_ =	shalt  }

// kernel: kernel.8.cloned.1.call-start
scs
__scs_entry_jumppad:
0x0: {  	(pc) =	sbr.rel $0x88, $3  }
0x1: {  	(tag) =	ssettag $0x0;
	lr =	simm.s32 $0x1  }
0x2: {  	[smem:$0x3F9B] =	sst lr;
	_ =	strace $0xD0000000  }
0x3: {  	_ = 	snop  }
0x4: {  	_ = 	snop  }
0x5: {  	_ = 	snop  }
0x6: {  	_ = 	snop  }
0x7: {  	_ = 	snop  }
__scs_overlays_trampoline_lowered:
0x8: {  	[smem:$0x3FAA] =	sst s0  }
0x9: {  	[smem:$0x3FAB] =	sst s1  }
0xa: {  	[smem:$0x3FAC] =	sst s2  }
0xb: {  	[smem:$0x3FAD] =	sst s3  }
0xc: {  	[smem:$0x3FAE] =	sst s4  }
0xd: {  	[smem:$0x3FAF] =	sst s5  }
0xe: {  	[smem:$0x3FB0] =	sst s6  }
0xf: {  	[smem:$0x3FB1] =	sst s7  }
0x10: {  	[smem:$0x3FB2] =	sst s8  }
0x11: {  	[smem:$0x3FB3] =	sst s9;
	s0 =	simm.s32 @!p0 $0x0  }
0x12: {  	s1 =	sld [smem:$0x3F99];
	s0 =	simm.s32 @p0 $0x1  }
0x13: {  	[smem:$0x3FB4] =	sst s0;
	s0 =	simm.s32 @!p1 $0x0  }
0x14: {  	s2 =	sld [smem:$0x3F98];
	s0 =	simm.s32 @p1 $0x1  }
0x15: {  	[smem:$0x3FB5] =	sst s0;
	s0 =	simm.s32 @!p2 $0x0  }
0x16: {  	s3 =	sld [smem:$0x3FDB];
	s0 =	simm.s32 @p2 $0x1  }
0x17: {  	s4 =	simm.s32 $0x1BF5;
	[smem:$0x3FB7] =	sst s0  }
0x18: {  	s0 =	sld [smem:$0x3F9A];
	_ =	swait.ge [sflag:s4], $0x0  }
0x19: {  	s7 =	sld [smem:$0x3F9B]  }
0x1a: {  	s8 =	sadd.s32 $0xFFFFE003, lr  }
0x1b: {  	s9 =	sadd.s32 $0xFFFFFEF7, lr;
	s5 =	simm.s32 $0xFFFFFFFF;
	p2 =	slt.u32 s8, $0xFFFFF086  }
0x1c: {  	p1 =	slt.u32 s9, $0xF7A;
	s5 =	simm.s32 @!p2 $0x0  }
0x1d: {  	s5 =	simm.s32 @p1 $0x1;
	p0 =	seq.s32 s7, s2  }
0x1e: {  	s7 =	smul.u32 @!p0 $0xF7A, s2;
	p2 =	seq.s32 @!p0 s5, $0x0  }
0x1f: {  	s9 =	smul.u32 $0xF7A, s1;
	s8 =	simm.s32 @!p0 $0x1BF5;
	p2 =	por !p2, p0  }
0x20: {  	[sflag:s8] =	ssyncset.s32 @!p0 $0xFFFFF086;
	s6 =	sadd.s32 @!p0 s3, s7;
	s7 =	simm.s32 @!p0 $0x108  }
0x21: {  	s3 =	sadd.s32 s3, s9;
	s6 =	sadd.s32 @!p0 $0x88, s6;
	s7 =	simm.s32 @p2 $0x1082  }
0x22: {  	[simem:s7], [sflag:s8] =	dma.local @!p0 [hbm:s6], $0xF7A  }
0x23: {  	s9 =	sor.u32 $0xD0000000, s2;
	s6 =	simm.s32 $0x108;
	_ =	swait.ge @!p0 [sflag:s8], $0x0  }
0x24: {  	s3 =	sadd.s32 $0x88, s3;
	s6 =	simm.s32 @!p1 $0x1082;
	[sflag:s4] =	ssyncset.s32 $0xFFFFF086  }
0x25: {  	[simem:s6], [sflag:s4] =	dma.local [hbm:s3], $0xF7A  }
0x26: {  	[smem:$0x3F9B] =	sst s1;
	(tag) =	ssettag s2;
	_ =	strace s9  }
0x27: {  	s1 =	sld [smem:$0x3FAB]  }
0x28: {  	s2 =	sld [smem:$0x3FAC]  }
0x29: {  	s4 =	sld [smem:$0x3FAE]  }
0x2a: {  	p0 =	seq.s32 s5, $0x0;
	s5 =	sld [smem:$0x3FAF]  }
0x2b: {  	s6 =	sld [smem:$0x3FB0]  }
0x2c: {  	s7 =	sld [smem:$0x3FB1]  }
0x2d: {  	s3 =	simm.s32 $0x108;
	s8 =	sld [smem:$0x3FB2]  }
0x2e: {  	s3 =	simm.s32 @!p0 $0x1082;
	s9 =	sld [smem:$0x3FB3]  }
0x2f: {  	lr =	sadd.s32 s0, s3;
	s0 =	sld [smem:$0x3FAA]  }
0x30: {  	s3 =	sld [smem:$0x3FAD]  }
0x31: {  	[smem:$0x3FB6] =	sst s10  }
0x32: {  	s10 =	sld [smem:$0x3FB4];
	_ =	sdelay $0x3  }
0x33: {  	p0 =	seq.s32 s10, $0x1;
	s10 =	sld [smem:$0x3FB6];
	_ =	sdelay $0x3  }
0x34: {  	[smem:$0x3FB6] =	sst s10  }
0x35: {  	s10 =	sld [smem:$0x3FB5];
	_ =	sdelay $0x3  }
0x36: {  	p1 =	seq.s32 s10, $0x1;
	s10 =	sld [smem:$0x3FB6];
	_ =	sdelay $0x3  }
0x37: {  	[smem:$0x3FB6] =	sst s10  }
0x38: {  	s10 =	sld [smem:$0x3FB7]  }
0x39: {  	_ = 	snop;
	(pc) =	sbr.ind lr, $3  }
0x3a: {  	_ = 	snop  }
0x3b: {  	_ = 	snop  }
0x3c: {  	p2 =	seq.s32 s10, $0x1;
	s10 =	sld [smem:$0x3FB6]  }
0x3d: {  	_ =	shalt  }
0x3e: {  	_ =	shalt  }
0x3f: {  	_ =	shalt  }
0x40: {  	_ =	shalt  }
0x41: {  	_ =	shalt  }
0x42: {  	_ =	shalt  }
0x43: {  	_ =	shalt  }
0x44: {  	_ =	shalt  }
0x45: {  	_ =	shalt  }
0x46: {  	_ =	shalt  }
0x47: {  	_ =	shalt  }
0x48: {  	_ =	shalt  }
0x49: {  	_ =	shalt  }
0x4a: {  	_ =	shalt  }
0x4b: {  	_ =	shalt  }
0x4c: {  	_ =	shalt  }
0x4d: {  	_ =	shalt  }
0x4e: {  	_ =	shalt  }
0x4f: {  	_ =	shalt  }
0x50: {  	_ =	shalt  }
0x51: {  	_ =	shalt  }
0x52: {  	_ =	shalt  }
0x53: {  	_ =	shalt  }
0x54: {  	_ =	shalt  }
0x55: {  	_ =	shalt  }
0x56: {  	_ =	shalt  }
0x57: {  	_ =	shalt  }
0x58: {  	_ =	shalt  }
0x59: {  	_ =	shalt  }
0x5a: {  	_ =	shalt  }
0x5b: {  	_ =	shalt  }
0x5c: {  	_ =	shalt  }
0x5d: {  	_ =	shalt  }
0x5e: {  	_ =	shalt  }
0x5f: {  	_ =	shalt  }
0x60: {  	_ =	shalt  }
0x61: {  	_ =	shalt  }
0x62: {  	_ =	shalt  }
0x63: {  	_ =	shalt  }
0x64: {  	_ =	shalt  }
0x65: {  	_ =	shalt  }
0x66: {  	_ =	shalt  }
0x67: {  	_ =	shalt  }
0x68: {  	_ =	shalt  }
0x69: {  	_ =	shalt  }
0x6a: {  	_ =	shalt  }
0x6b: {  	_ =	shalt  }
0x6c: {  	_ =	shalt  }
0x6d: {  	_ =	shalt  }
0x6e: {  	_ =	shalt  }
0x6f: {  	_ =	shalt  }
0x70: {  	_ =	shalt  }
0x71: {  	_ =	shalt  }
0x72: {  	_ =	shalt  }
0x73: {  	_ =	shalt  }
0x74: {  	_ =	shalt  }
0x75: {  	_ =	shalt  }
0x76: {  	_ =	shalt  }
0x77: {  	_ =	shalt  }
0x78: {  	_ =	shalt  }
0x79: {  	_ =	shalt  }
0x7a: {  	_ =	shalt  }
0x7b: {  	_ =	shalt  }
0x7c: {  	_ =	shalt  }
0x7d: {  	_ =	shalt  }
0x7e: {  	_ =	shalt  }
0x7f: {  	_ =	shalt  }
0x80: {  	_ =	shalt  }
0x81: {  	_ =	shalt  }
0x82: {  	_ =	shalt  }
0x83: {  	_ =	shalt  }
0x84: {  	_ =	shalt  }
0x85: {  	_ =	shalt  }
0x86: {  	_ =	shalt  }
0x87: {  	_ =	shalt  }
.Lfunc_end0:
.L_simem_size_0:
called_computation_lowered:
.L_overlay_start_0:
0x88: {  	s2 =	sld [smem:$0x3FD9]  }
0x89: {  	s3 =	sld [smem:$0x3FFE];
	_ =	sdelay $0x1  }
0x8a: {  	s1 =	srdreg.scid  }
0x8b: {  	s0 =	sand.u32 $0x1, s1  }
0x8c: {  	s17 =	sshll.u32 s0, $0xA;
	s2 =	sadd.s32 s3, s2  }
0x8d: {  	s2 =	sadd.s32 s2, s17  }
0x8e: {  	[smem:$0x3FC2] =	sst s2  }
0x8f: {  	_ = 	snop  }
0x90: {  	s2 =	sld [smem:$0x3FD0];
	(tm) =	ssettm $0x1  }
0x91: {  	s18 =	sld [smem:$0x3FFB];
	_ =	sdelay $0x3  }
0x92: {  	_ =	strace s18  }
0x93: {  	s3 =	sld [smem:$0x3FFC];
	_ =	sdelay $0x3  }
0x94: {  	_ =	strace s3  }
0x95: {  	s3 =	sld [smem:$0x3FFD];
	_ =	sdelay $0x3  }
0x96: {  	_ =	strace s3  }
0x97: {  	_ =	strace $0x8FFFFFFF  }
0x98: {  	s19 =	sld [smem:$0x3FDB];
	_ =	sdelay $0x1  }
0x99: {  	s4 =	simm.s32 $_scs_section_size  }
0x9a: {  	s5 =	simm.s32 $_size__tile_overlayer_lowered;
	s6 =	simm.s32 $_tile_overlayer_lowered  }
0x9b: {  	s22 =	simm.s32 $0x1BFF;
	s21 =	sshll.u32 s6, $0x1;
	s3 =	sadd.s32 s4, s19  }
0x9c: {  	s7 =	simm.s32 $0x0;
	s20 =	sshll.u32 s5, $0x1;
	s5 =	sadd.s32 s21, s3  }
0x9d: {  	[timem:s7], [sflag:s22] =	dma.local [hbm:s5], s20  }
0x9e: {  	_ =	swait.ge [sflag:s22], s20  }
0x9f: {  	s4 =	ssub.s32 $0x0, s20;
	[sflag:s22] =	ssyncset.done $0x0  }
0xa0: {  	[sflag:s22] =	ssyncadd.s32 s4;
	_ =	sdelay $0x1  }
0xa1: {  	s23 =	simm.s32 $0x1B8B  }
0xa2: {  	_ =	swait.ge [sflag:s23], $0x1  }
0xa3: {  	[sflag:s23] =	ssyncset.done $0x0  }
0xa4: {  	s25 =	simm.s32 $0x1B8E;
	s24 =	sld [smem:$0x3FFE];
	[sflag:s23] =	ssyncadd.s32 $0xFFFFFFFF  }
0xa5: {  	s26 =	simm.s32 $execute0_lowered;
	[smem:$0x3FD2] =	sst s25  }
0xa6: {  	s5 =	sshll.u32 s26, $0x1;
	_ =	strace $0x80000046;
	[dreg:$0x1] =	wrdreg $0xFFFFFFFF  }
0xa7: {  	s28 =	simm.s32 $_size_execute0_lowered;
	s3 =	sadd.s32 s3, s5;
	[dreg:$0x0] =	wrdreg $0x0  }
0xa8: {  	s5 =	sshll.u32 s28, $0x1;
	[dreg:$0x2] =	wrdreg s3  }
0xa9: {  	[dreg:$0x3] =	wrdreg s5  }
0xaa: {  	[dreg:$0x4] =	wrdreg $0xC0  }
0xab: {  	_ =	task [dreg:s7], $0x5FFFF  }
0xac: {  	[dreg:$0x1] =	wrdreg $0xFFFFFFFF  }
0xad: {  	[dreg:$0x0] =	wrdreg $0x60  }
0xae: {  	[dreg:$0x2] =	wrdreg s24  }
0xaf: {  	[dreg:$0x3] =	wrdreg s2  }
0xb0: {  	[dreg:$0x4] =	wrdreg $0x9  }
0xb1: {  	_ =	task.clear_ibuf [dreg:s7], $0x5FFFF;
	_ =	strace $0x90000046  }
0xb2: {  	s29 =	simm.s32 $0x9;
	_ =	strace $0x80000048  }
0xb3: {  	_ =	swait.ge [sflag:s29], $0x1  }
0xb4: {  	[sflag:s29] =	ssyncadd.s32 $0xFFFFFFFF  }
0xb5: {  	_ =	strace $0x90000048  }
0xb6: {  	_ =	sfence  }
0xb7: {  	s30 =	sld [smem:$0x0];
	_ =	sdelay $0x2  }
0xb8: {  	s31 =	sshll.u32 s1, $0xD;
	s1 =	sshrl.u32 s1, $0x2  }
0xb9: {  	s3 =	sand.u32 $0x4000, s31;
	s1 =	sadd.s32 s1, s30  }
0xba: {  	s0 =	sor.u32 s3, s0;
	s1 =	sshll.u32 s1, $0x11  }
0xbb: {  	s0 =	sor.u32 s1, s0  }
0xbc: {  	s0 =	sadd.s32 $0x8F2B, s0  }
0xbd: {  	[sflag:s0] =	ssyncadd.remote.s32 $0x1  }
0xbe: {  	_ =	sfence.sel $0xFFFF  }
0xbf: {  	[dreg:$0x0] =	wrdreg $0xFFFFFFFF;
	(pc) =	sbr.abs _section_cstart, $3  }
0xc0: {  	[dreg:$0x1] =	wrdreg $0xFFFFFFFF  }
0xc1: {  	_ =	task.clear_ibuf [dreg:s7], $0x2FFFF;
	_ =	strace $0x9FFFFFFF  }
0xc2: {  	(tm) =	ssettm $0x7FFFFFFF  }
0xc3: {  	_ =	shalt  }
tec
execute0_lowered:
.L_overlay_start_1:
0x0: {  	(tag) =	ssettag $0x1  }
0x1: {  	s1 =	srdreg.scid;
	s5 =	rddreg [dreg:$0x0]  }
0x2: {  	s0 =	stileid.u32;
	s2 =	rddreg [dreg:$0x1]  }
0x3: {  	s3 =	simm.s32 $0x0;
	s9 =	simm.s32 $0x80;
	s10 =	simm.s32 $0x400  }
0x4: {  	s11 =	simm.s32 $0x0;
	s4 =	sand.u32 $0x1, s1;
	s29 =	sshll.u32 s0, $0x1  }
0x5: {  	s30 =	sshrl.u32 s0, $0x2;
	s1 =	rddreg [dreg:$0x2];
	s6 =	sor.u32 s4, s29  }
0x6: {  	[smem:$0x7FF] =	sst s3;
	s7 =	smul.u32 $0x14000, s30;
	s8 =	sshll.u32 s6, $0x7  }
0x7: {  	s4 =	ssub.s32 $0x2, s4;
	s6 =	smul.u32 $0x9C4, s6;
	s8 =	sand.u32 $0x380, s8  }
0x8: {  	_ =	strace $0x80000047;
	s31 =	sshrl.u32 s4, $0x1;
	s7 =	sor.u32 s7, s8  }
0x9: {  	s6 =	sadd.s32 s6, s5;
	s8 =	simm.s32 $0x4E80;
	s7 =	sshrl.u32 s7, $0x3  }
0xa: {  	s5 =	sadd.s32 s7, s5;
	s7 =	ssub.s32 s4, s31;
	s4 =	sadd.s32 $0x2E00, s6  }
0xb: {  	v0 =	vimm.f32 $1.000000000e+00;
	s5 =	sadd.s32 $0x2A200, s5;
	s6 =	smax.u32 s7, $0x1;
	s7 =	simm.s32 $0x1  }
.LBB2_1:
0xc: {  	[tilespmem:s3], [sflag:$0x1] =	stream.linear.gather [hbm4b:s4+s3], $0x4E20, $0x38;
	[tilespmem:$0x7680] =	vst v63  }
0xd: {  	_ =	swait.ge [sflag:s7], $0x4E20  }
0xe: {  	[sflag:s7] =	ssyncset.done $0x0  }
0xf: {  	[sflag:s7] =	ssyncadd.s32 $0xFFFFB1E0  }
0x10: {  	[tilespmem:s8], [sflag:$0x1] =	stream.linear.gather [hbm4b:s2+s3], $0x2800, $0x38;
	[tilespmem:$0x7680] =	vst v63  }
0x11: {  	_ =	swait.ge [sflag:s7], $0x2800  }
0x12: {  	[sflag:s7] =	ssyncset.done $0x0  }
0x13: {  	s12 =	simm.s32 $0x40;
	[sflag:s7] =	ssyncadd.s32 $0xFFFFD800  }
0x14: {  	v2 =	vld [tilespmem:s12+$0xFFFFFFC0]  }
0x15: {  	v3 =	vld [tilespmem:s12+$0x30]  }
0x16: {  	v4 =	vld [tilespmem:s12+$0x20]  }
0x17: {  	v5 =	vld [tilespmem:s12+$0x10]  }
0x18: {  	v6 =	vld [tilespmem:s12+$0x0]  }
0x19: {  	v7 =	vld [tilespmem:s12+$0xFFFFFFF0]  }
0x1a: {  	v8 =	vld [tilespmem:s12+$0xFFFFFFE0]  }
0x1b: {  	v1 =	vld [tilespmem:s12+$0xFFFFFFD0]  }
0x1c: {  	[tilespmem:v2+s8+$0x0] =	vst.idx.add.f32.msk $0xffff, v0  }
0x1d: {  	[tilespmem:v3+s8+$0x0] =	vst.idx.add.f32.msk $0xffff, v0  }
0x1e: {  	[tilespmem:v4+s8+$0x0] =	vst.idx.add.f32.msk $0xffff, v0  }
0x1f: {  	[tilespmem:v5+s8+$0x0] =	vst.idx.add.f32.msk $0xffff, v0  }
0x20: {  	[tilespmem:v6+s8+$0x0] =	vst.idx.add.f32.msk $0xffff, v0  }
0x21: {  	[tilespmem:v7+s8+$0x0] =	vst.idx.add.f32.msk $0xffff, v0  }
0x22: {  	s15 =	simm.s32 $0x0;
	s13 =	simm.s32 $0x4E00;
	[tilespmem:v8+s8+$0x0] =	vst.idx.add.f32.msk $0xffff, v0  }
.LBB2_2:
0x23: {  	s15 =	sadd.s32 $0x80, s15;
	[tilespmem:v1+s8+$0x0] =	vst.idx.add.f32.msk $0xffff, v0;
	s12 =	sadd.s32 $0x80, s12;
	s14 =	simm.s32 $0x4DF0  }
0x24: {  	v2 =	vld [tilespmem:s12+$0xFFFFFFC0];
	p0 =	slt.u32 s15, $0x4D80  }
0x25: {  	v3 =	vld [tilespmem:s12+$0x30]  }
0x26: {  	v4 =	vld [tilespmem:s12+$0x20]  }
0x27: {  	v5 =	vld [tilespmem:s12+$0x10]  }
0x28: {  	v6 =	vld [tilespmem:s12+$0x0]  }
0x29: {  	v7 =	vld [tilespmem:s12+$0xFFFFFFF0]  }
0x2a: {  	v8 =	vld [tilespmem:s12+$0xFFFFFFE0]  }
0x2b: {  	v1 =	vld [tilespmem:s12+$0xFFFFFFD0]  }
0x2c: {  	[tilespmem:v2+s8+$0x0] =	vst.idx.add.f32.msk $0xffff, v0  }
0x2d: {  	[tilespmem:v3+s8+$0x0] =	vst.idx.add.f32.msk $0xffff, v0  }
.Ltmp0:
0x2e: {  	[tilespmem:v4+s8+$0x0] =	vst.idx.add.f32.msk $0xffff, v0;
	(pc) =	sbr.rel @p0 .LBB2_2-.Ltmp0, $4  }
0x2f: {  	[tilespmem:v5+s8+$0x0] =	vst.idx.add.f32.msk $0xffff, v0  }
0x30: {  	[tilespmem:v6+s8+$0x0] =	vst.idx.add.f32.msk $0xffff, v0  }
0x31: {  	[tilespmem:v7+s8+$0x0] =	vst.idx.add.f32.msk $0xffff, v0  }
0x32: {  	[tilespmem:v8+s8+$0x0] =	vst.idx.add.f32.msk $0xffff, v0  }
0x33: {  	_ =	sdelay $0x3  }
0x34: {  	[tilespmem:v1+s8+$0x0] =	vst.idx.add.f32.msk $0xffff, v0  }
.LBB2_4:
0x35: {  	v1 =	vld [tilespmem:s13+$0x0];
	_ =	sdelay $0x1  }
0x36: {  	s14 =	sadd.s32 $0x10, s14  }
0x37: {  	p0 =	slt.u32 s14, $0x4E10  }
.Ltmp1:
0x38: {  	_ = 	snop;
	(pc) =	sbr.rel @p0 .LBB2_4-.Ltmp1, $2  }
0x39: {  	_ =	sdelay $0x2  }
0x3a: {  	s13 =	sadd.s32 $0x10, s13;
	[tilespmem:v1+s8+$0x0] =	vst.idx.add.f32.msk $0xffff, v0  }
0x3b: {  	s11 =	sadd.s32 $0x1, s11  }
0x3c: {  	p0 =	sne.s32 s11, s6  }
.Ltmp2:
0x3d: {  	_ = 	snop;
	(pc) =	sbr.rel @p0 .LBB2_1-.Ltmp2, $4  }
0x3e: {  	[hbm4b:s5+s9] =	stream.strided.scatter [tilespmem:s8], [sflag:$0x1], $0x2800, s10, s9, $0x38;
	[tilespmem:$0x7680] =	vst v63  }
0x3f: {  	_ =	swait.ge [sflag:s7], $0x2800  }
0x40: {  	[sflag:s7] =	ssyncset.done $0x0  }
0x41: {  	[sflag:s7] =	ssyncadd.s32 $0xFFFFD800  }
0x42: {  	_ =	sfence.sel $0x180000  }
0x43: {  	[bflag:$0x0] =	sbarrier.arrive $0xFFFF  }
0x44: {  	p0 =	sne.s32 s0, $0x0;
	_ =	strace $0x90000047  }
0x45: {  	s0 =	sadd.s32 @!p0 $0x100000, s1;
	[bflag:$0x2] =	sbarrier.arrive $0xFFFF  }
0x46: {  	[sflag:s0] =	ssyncadd.tile.s32 @!p0 $0x1;
	_ =	shalt  }
.Lfunc_end2:
_tile_overlayer_lowered:
.L_overlay_start_2:
0x47: {  	(tag) =	ssettag $0x2  }
0x48: {  	s0 =	rddreg [dreg:$0x0];
	s2 =	stileid.u32  }
0x49: {  	s1 =	rddreg [dreg:$0x1];
	p0 =	sne.s32 s2, $0x0  }
0x4a: {  	s3 =	rddreg [dreg:$0x2];
	[bflag:$0x3] =	sbarrier.arrive $0xFFFF;
	s2 =	simm.s32 @!p0 $0x1C01  }
0x4b: {  	[timem:s3], [sflag:s2] =	dma.local @!p0 [hbm:s0], s1  }
0x4c: {  	s0 =	simm.s32 @!p0 $0x1  }
0x4d: {  	_ =	swait.ge @!p0 [sflag:s0], s1  }
0x4e: {  	s1 =	ssub.s32 @!p0 $0x0, s1;
	[sflag:s0] =	ssyncset.done @!p0 $0x0  }
0x4f: {  	[sflag:s0] =	ssyncadd.s32 @!p0 s1  }
0x50: {  	[bflag:$0x3] =	sbarrier.arrive $0xFFFF  }
0x51: {  	_ =	shalt  }

</sc_bundles>
